<compile_context>
chip_gen: v7x
topology: tpu7x:2x2x1
jax: 0.10.2.dev20260603
libtpu: 0.0.44.dev20260713+nightly
codegen_flags: <defaults>
</compile_context>

<pallas_src>
import functools
import jax
import jax.numpy as jnp
from jax import lax
from jax.experimental import pallas as pl
from jax.experimental.pallas import tpu as pltpu
from jax.experimental.pallas import tpu_sc as plsc

H = 512
W = 512
NB = 32
OH = 256
OW = 256
D = 8
RCH = 8
P = RCH * OW
K = P // 128
NCHUNK = OH // RCH
ZERO_ROW = H * W


def _body(img_hbm, tr_hbm, out_hbm, t_v, idx_v, g_v, sem):
    wid = lax.axis_index("s") * 2 + lax.axis_index("c")
    b = wid

    pltpu.sync_copy(tr_hbm.at[b], t_v)
    tv = [t_v[j, :] for j in range(9)]
    t22 = tv[8]
    t0, t1, t2, t3, t4, t5, t6, t7 = [tv[j] / t22 for j in range(8)]
    ilanes = jnp.arange(16, dtype=jnp.int32)
    xiota = ilanes.astype(jnp.float32)
    zlane = ilanes + ZERO_ROW

    def chunk_body(ci, carry):
        y0 = ci * RCH

        def row_body(r, carry2):
            yf = jnp.full((16,), y0 + r, jnp.int32).astype(jnp.float32)
            ay = t1 * yf
            cy = t4 * yf
            ky = t7 * yf
            for vx in range(16):
                xf = xiota + jnp.float32(vx * 16)
                k = (t6 * xf + ky) + 1.0
                xi = (((t0 * xf + ay) + t2) / k).astype(jnp.int32)
                yi = (((t3 * xf + cy) + t5) / k).astype(jnp.int32)
                valid = (xi >= 0) & (xi < W) & (yi >= 0) & (yi < H)
                idx = jnp.where(valid, yi * W + xi, zlane + (r * 256 + vx * 16))
                idx_v[2 * r + (vx // 8), pl.ds((vx % 8) * 16, 16)] = idx
            return carry2

        lax.fori_loop(0, RCH, row_body, carry)

        def fire(j, carry2):
            pltpu.make_async_copy(
                img_hbm.at[idx_v.at[j]],
                g_v.at[pl.ds(j * 128, 128)],
                sem).start()
            return carry2

        lax.fori_loop(0, K, fire, carry)

        def drain(j, carry2):
            pltpu.make_async_copy(
                img_hbm.at[idx_v.at[j]],
                g_v.at[pl.ds(j * 128, 128)],
                sem).wait()
            return carry2

        lax.fori_loop(0, K, drain, carry)

        pltpu.sync_copy(g_v, out_hbm.at[b, pl.ds(ci * P, P)])
        return carry

    lax.fori_loop(0, NCHUNK, chunk_body, 0)


@jax.jit
def _run(img_aug, tr_rep):
    mesh = plsc.VectorSubcoreMesh(core_axis_name="c", subcore_axis_name="s")
    f = pl.kernel(
        _body,
        mesh=mesh,
        compiler_params=pltpu.CompilerParams(use_tc_tiling_on_sc=False),
        out_type=jax.ShapeDtypeStruct((NB, OH * OW, D), jnp.float32),
        scratch_types=[
            pltpu.VMEM((9, 16), jnp.float32),
            pltpu.VMEM((K, 128), jnp.int32),
            pltpu.VMEM((P, D), jnp.float32),
            pltpu.SemaphoreType.DMA,
        ],
    )
    return f(img_aug, tr_rep)[:, :, :3].reshape(NB, OH, OW, 3)


def kernel(img, transform):
    img_aug = jnp.pad(img.reshape(H * W, 3), ((0, P), (0, D - 3)))
    tr_rep = jnp.broadcast_to(transform.reshape(NB, 9, 1), (NB, 9, 16))
    return _run(img_aug, tr_rep)

# --- scband reference (transcript-rebuilt; emitter-appended) ---
"""Pipeline reference for scband-image-transformer-70239895158893 (READ-ONLY COPY).

The authoritative reference and input builder live on the scoring server;
editing this copy changes nothing except your own understanding.
"""

import jax, jax.numpy as jnp
import numpy as np

N_BATCH = 32
H = 512
W = 512


def _grids():
    x = jnp.tile(jnp.arange(W, dtype=jnp.int32), H)[None, :].repeat(N_BATCH, axis=0)
    y = jnp.repeat(jnp.arange(H, dtype=jnp.int32), W)[None, :].repeat(N_BATCH, axis=0)
    offsets = jnp.full((N_BATCH, H * W), H * W, dtype=jnp.int32) * jnp.arange(N_BATCH, dtype=jnp.int32)[:, None]
    in_idx = x + y * W + offsets
    return x, y, offsets, in_idx


def setup_inputs(seed: int = 0) -> dict:
    key = jax.random.key(seed)
    k1, k2 = jax.random.split(key)
    img = jax.random.normal(k1, (H, W, 3), dtype=jnp.float32)
    transform = jax.random.uniform(k2, (N_BATCH, 3, 3), dtype=jnp.float32)
    return {"img": img, "transform": transform}


def reference(img, transform):
    x, y, offsets, in_idx = _grids()
    t = transform / transform[:, 2:3, 2:3]
    t = t.reshape(N_BATCH, 9)[:, :8][..., None]  # [n, 8, 1]
    xf = x.astype(jnp.float32)
    yf = y.astype(jnp.float32)
    k = t[:, 6] * xf + t[:, 7] * yf + 1.0
    xi = ((t[:, 0] * xf + t[:, 1] * yf + t[:, 2]) / k).astype(jnp.int32)
    yi = ((t[:, 3] * xf + t[:, 4] * yf + t[:, 5]) / k).astype(jnp.int32)
    out_idx = xi + yi * W + offsets
    flat = jnp.tile(img[None], (N_BATCH, 1, 1, 1)).reshape(-1, 3)
    xi_outside = jnp.logical_or(xi < 0, xi >= W)
    yi_outside = jnp.logical_or(yi < 0, yi >= H)
    bad_idx = jnp.logical_or(xi_outside, yi_outside)
    out_idx = jnp.where(bad_idx, -1, out_idx)
    oi = out_idx.reshape(-1)
    # torch gathers at -1 (wraps) but the result is masked out by the where;
    # clip here so the gather is in-bounds, then mask identically.
    gathered = jnp.take(flat, jnp.clip(oi, 0, flat.shape[0] - 1), axis=0)
    vals = jnp.where((oi != -1)[:, None], gathered, jnp.zeros_like(gathered))
    out_flat = flat.at[in_idx.reshape(-1)].set(vals)
    out_flat = out_flat.reshape(N_BATCH, H, W, 3)
    return out_flat[:, :256, :256, :]

if __name__ == "__main__":
    import jax
    _d = setup_inputs()
    print(jax.jit(kernel)(*tuple(_d.values())))

</pallas_src>

<mosaic_0001>
#map = affine_map<(d0, d1) -> (0, 0)>
#map1 = affine_map<(d0, d1) -> (0, 0, 0)>
module attributes {stable_mosaic.version = 14 : i64} {
  func.func @_body(%arg0: i32, %arg1: i32, %arg2: memref<264192x8xf32, #tpu.memory_space<hbm>>, %arg3: memref<32x9x16xf32, #tpu.memory_space<hbm>>, %arg4: memref<32x65536x8xf32, #tpu.memory_space<hbm>>, %arg5: memref<9x16xf32, #tpu.memory_space<vmem>>, %arg6: memref<16x128xi32, #tpu.memory_space<vmem>>, %arg7: memref<2048x8xf32, #tpu.memory_space<vmem>>, %arg8: memref<!tpu.dma_semaphore, #tpu.memory_space<semaphore_mem>>) attributes {dimension_semantics = [#tpu.dimension_semantics<core_parallel>, #tpu.dimension_semantics<subcore_parallel>], iteration_bounds = array<i64: 2, 16>, scalar_prefetch = 0 : i64, scratch_operands = 4 : i64, tpu.core_type = #tpu.core_type<sc_vector_subcore>, window_params = [{transform_indices = #map}, {transform_indices = #map1}, {transform_indices = #map1}]} {
    %mul3A = arith.constant 2 : i32
    %mul3A_0 = arith.muli %arg1, %mul3A : i32
    %add3A = arith.addi %mul3A_0, %arg0 : i32
    "tpu.region"() ({
      %run_scoped3A = tpu.sem_alloc : memref<!tpu.dma_semaphore, #tpu.memory_space<semaphore_mem>>
      %dma_start3A = arith.constant 0 : i32
      %dma_start3A_60 = arith.constant 0 : i32
      %dma_start3A_61 = tpu.memref_slice %arg3[%add3A, %dma_start3A, %dma_start3A_60] : memref<32x9x16xf32, #tpu.memory_space<hbm>> -> memref<1x9x16xf32, #tpu.memory_space<hbm>>
      %dma_start3A_62 = tpu.memref_squeeze %dma_start3A_61 : memref<1x9x16xf32, #tpu.memory_space<hbm>> -> memref<9x16xf32, #tpu.memory_space<hbm>>
      %dma_start3A_63 = arith.constant 0 : i32
      %dma_start3A_64 = arith.constant 0 : i32
      %dma_start3A_65 = tpu.memref_slice %arg3[%add3A, %dma_start3A_63, %dma_start3A_64] : memref<32x9x16xf32, #tpu.memory_space<hbm>> -> memref<1x9x16xf32, #tpu.memory_space<hbm>>
      %dma_start3A_66 = tpu.memref_squeeze %dma_start3A_65 : memref<1x9x16xf32, #tpu.memory_space<hbm>> -> memref<9x16xf32, #tpu.memory_space<hbm>>
      tpu.enqueue_dma source(%dma_start3A_66 : memref<9x16xf32, #tpu.memory_space<hbm>>) target(%arg5 : memref<9x16xf32, #tpu.memory_space<vmem>>) target_semaphore(%run_scoped3A : memref<!tpu.dma_semaphore, #tpu.memory_space<semaphore_mem>>)
      %dma_wait3A = arith.constant 0 : i32
      %dma_wait3A_67 = arith.constant 0 : i32
      %dma_wait3A_68 = tpu.memref_slice %arg3[%add3A, %dma_wait3A, %dma_wait3A_67] : memref<32x9x16xf32, #tpu.memory_space<hbm>> -> memref<1x9x16xf32, #tpu.memory_space<hbm>>
      %dma_wait3A_69 = tpu.memref_squeeze %dma_wait3A_68 : memref<1x9x16xf32, #tpu.memory_space<hbm>> -> memref<9x16xf32, #tpu.memory_space<hbm>>
      %dma_wait3A_70 = arith.constant 0 : i32
      %dma_wait3A_71 = arith.constant 0 : i32
      %dma_wait3A_72 = tpu.memref_slice %arg3[%add3A, %dma_wait3A_70, %dma_wait3A_71] : memref<32x9x16xf32, #tpu.memory_space<hbm>> -> memref<1x9x16xf32, #tpu.memory_space<hbm>>
      %dma_wait3A_73 = tpu.memref_squeeze %dma_wait3A_72 : memref<1x9x16xf32, #tpu.memory_space<hbm>> -> memref<9x16xf32, #tpu.memory_space<hbm>>
      tpu.wait_dma2 semaphore(%run_scoped3A : memref<!tpu.dma_semaphore, #tpu.memory_space<semaphore_mem>>) src(%dma_wait3A_73 : memref<9x16xf32, #tpu.memory_space<hbm>>) dst(%arg5 : memref<9x16xf32, #tpu.memory_space<vmem>>)
      tpu.yield
    }) : () -> ()
    %get3A = arith.constant 0 : i32
    %get3A_1 = arith.index_cast %get3A : i32 to index
    %get3A_2 = arith.constant 0 : index
    %get3A_3 = tpu.vector_load %arg5[%get3A_1, %get3A_2] {strides = array<i32>} : memref<9x16xf32, #tpu.memory_space<vmem>>, vector<1x16xf32>,
    %get3A_4 = vector.shape_cast %get3A_3 : vector<1x16xf32> to vector<16xf32>
    %get3A_5 = arith.constant 1 : i32
    %get3A_6 = arith.index_cast %get3A_5 : i32 to index
    %get3A_7 = arith.constant 0 : index
    %get3A_8 = tpu.vector_load %arg5[%get3A_6, %get3A_7] {strides = array<i32>} : memref<9x16xf32, #tpu.memory_space<vmem>>, vector<1x16xf32>,
    %get3A_9 = vector.shape_cast %get3A_8 : vector<1x16xf32> to vector<16xf32>
    %get3A_10 = arith.constant 2 : i32
    %get3A_11 = arith.index_cast %get3A_10 : i32 to index
    %get3A_12 = arith.constant 0 : index
    %get3A_13 = tpu.vector_load %arg5[%get3A_11, %get3A_12] {strides = array<i32>} : memref<9x16xf32, #tpu.memory_space<vmem>>, vector<1x16xf32>,
    %get3A_14 = vector.shape_cast %get3A_13 : vector<1x16xf32> to vector<16xf32>
    %get3A_15 = arith.constant 3 : i32
    %get3A_16 = arith.index_cast %get3A_15 : i32 to index
    %get3A_17 = arith.constant 0 : index
    %get3A_18 = tpu.vector_load %arg5[%get3A_16, %get3A_17] {strides = array<i32>} : memref<9x16xf32, #tpu.memory_space<vmem>>, vector<1x16xf32>,
    %get3A_19 = vector.shape_cast %get3A_18 : vector<1x16xf32> to vector<16xf32>
    %get3A_20 = arith.constant 4 : i32
    %get3A_21 = arith.index_cast %get3A_20 : i32 to index
    %get3A_22 = arith.constant 0 : index
    %get3A_23 = tpu.vector_load %arg5[%get3A_21, %get3A_22] {strides = array<i32>} : memref<9x16xf32, #tpu.memory_space<vmem>>, vector<1x16xf32>,
    %get3A_24 = vector.shape_cast %get3A_23 : vector<1x16xf32> to vector<16xf32>
    %get3A_25 = arith.constant 5 : i32
    %get3A_26 = arith.index_cast %get3A_25 : i32 to index
    %get3A_27 = arith.constant 0 : index
    %get3A_28 = tpu.vector_load %arg5[%get3A_26, %get3A_27] {strides = array<i32>} : memref<9x16xf32, #tpu.memory_space<vmem>>, vector<1x16xf32>,
    %get3A_29 = vector.shape_cast %get3A_28 : vector<1x16xf32> to vector<16xf32>
    %get3A_30 = arith.constant 6 : i32
    %get3A_31 = arith.index_cast %get3A_30 : i32 to index
    %get3A_32 = arith.constant 0 : index
    %get3A_33 = tpu.vector_load %arg5[%get3A_31, %get3A_32] {strides = array<i32>} : memref<9x16xf32, #tpu.memory_space<vmem>>, vector<1x16xf32>,
    %get3A_34 = vector.shape_cast %get3A_33 : vector<1x16xf32> to vector<16xf32>
    %get3A_35 = arith.constant 7 : i32
    %get3A_36 = arith.index_cast %get3A_35 : i32 to index
    %get3A_37 = arith.constant 0 : index
    %get3A_38 = tpu.vector_load %arg5[%get3A_36, %get3A_37] {strides = array<i32>} : memref<9x16xf32, #tpu.memory_space<vmem>>, vector<1x16xf32>,
    %get3A_39 = vector.shape_cast %get3A_38 : vector<1x16xf32> to vector<16xf32>
    %get3A_40 = arith.constant 8 : i32
    %get3A_41 = arith.index_cast %get3A_40 : i32 to index
    %get3A_42 = arith.constant 0 : index
    %get3A_43 = tpu.vector_load %arg5[%get3A_41, %get3A_42] {strides = array<i32>} : memref<9x16xf32, #tpu.memory_space<vmem>>, vector<1x16xf32>,
    %get3A_44 = vector.shape_cast %get3A_43 : vector<1x16xf32> to vector<16xf32>
    %div3A = arith.divf %get3A_4, %get3A_44 : vector<16xf32>
    %div3A_45 = arith.divf %get3A_9, %get3A_44 : vector<16xf32>
    %div3A_46 = arith.divf %get3A_14, %get3A_44 : vector<16xf32>
    %div3A_47 = arith.divf %get3A_19, %get3A_44 : vector<16xf32>
    %div3A_48 = arith.divf %get3A_24, %get3A_44 : vector<16xf32>
    %div3A_49 = arith.divf %get3A_29, %get3A_44 : vector<16xf32>
    %div3A_50 = arith.divf %get3A_34, %get3A_44 : vector<16xf32>
    %div3A_51 = arith.divf %get3A_39, %get3A_44 : vector<16xf32>
    %iota3A = tpu.iota {dimensions = array<i32: 0>} : vector<16xi32>
    %convert_element_type3A = arith.sitofp %iota3A : vector<16xi32> to vector<16xf32>
    %add3A_52 = arith.constant 262144 : i32
    %add3A_53 = vector.broadcast %add3A_52 : i32 to vector<16xi32>
    %add3A_54 = arith.addi %iota3A, %add3A_53 : vector<16xi32>
    %scan3A = arith.constant 0 : i32
    %scan3A_55 = arith.constant 0 : i32
    %scan3A_56 = arith.constant 32 : i32
    %scan3A_57 = arith.addi %scan3A_55, %scan3A_56 : i32
    %scan3A_58 = arith.constant 1 : i32
    scf.for %scan3A_60 = %scan3A_55 to %scan3A_57 step %scan3A_58  : i32 {
      %mul3A_61 = arith.constant 8 : i32
      %mul3A_62 = arith.muli %scan3A_60, %mul3A_61 : i32
      %scan3A_63 = arith.constant 0 : i32
      %scan3A_64 = arith.constant 8 : i32
      %scan3A_65 = arith.addi %scan3A_63, %scan3A_64 : i32
      %scan3A_66 = arith.constant 1 : i32
      scf.for %scan3A_80 = %scan3A_63 to %scan3A_65 step %scan3A_66  : i32 {
        %add3A_81 = arith.addi %mul3A_62, %scan3A_80 : i32
        %broadcast_in_dim3A = vector.broadcast %add3A_81 : i32 to vector<16xi32>
        %convert_element_type3A_82 = arith.sitofp %broadcast_in_dim3A : vector<16xi32> to vector<16xf32>
        %mul3A_83 = arith.mulf %div3A_45, %convert_element_type3A_82 : vector<16xf32>
        %mul3A_84 = arith.mulf %div3A_48, %convert_element_type3A_82 : vector<16xf32>
        %mul3A_85 = arith.mulf %div3A_51, %convert_element_type3A_82 : vector<16xf32>
        %add3A_86 = arith.constant 0.000000e+00 : f32
        %add3A_87 = vector.broadcast %add3A_86 : f32 to vector<16xf32>
        %add3A_88 = arith.addf %convert_element_type3A, %add3A_87 : vector<16xf32>
        %mul3A_89 = arith.mulf %div3A_50, %add3A_88 : vector<16xf32>
        %add3A_90 = arith.addf %mul3A_89, %mul3A_85 : vector<16xf32>
        %add3A_91 = arith.constant 1.000000e+00 : f32
        %add3A_92 = vector.broadcast %add3A_91 : f32 to vector<16xf32>
        %add3A_93 = arith.addf %add3A_90, %add3A_92 : vector<16xf32>
        %mul3A_94 = arith.mulf %div3A, %add3A_88 : vector<16xf32>
        %add3A_95 = arith.addf %mul3A_94, %mul3A_83 : vector<16xf32>
        %add3A_96 = arith.addf %add3A_95, %div3A_46 : vector<16xf32>
        %div3A_97 = arith.divf %add3A_96, %add3A_93 : vector<16xf32>
        %convert_element_type3A_98 = arith.fptosi %div3A_97 : vector<16xf32> to vector<16xi32>
        %mul3A_99 = arith.mulf %div3A_47, %add3A_88 : vector<16xf32>
        %add3A_100 = arith.addf %mul3A_99, %mul3A_84 : vector<16xf32>
        %add3A_101 = arith.addf %add3A_100, %div3A_49 : vector<16xf32>
        %div3A_102 = arith.divf %add3A_101, %add3A_93 : vector<16xf32>
        %convert_element_type3A_103 = arith.fptosi %div3A_102 : vector<16xf32> to vector<16xi32>
        %ge3A = arith.constant 0 : i32
        %ge3A_104 = vector.broadcast %ge3A : i32 to vector<16xi32>
        %ge3A_105 = arith.cmpi sge, %convert_element_type3A_98, %ge3A_104 : vector<16xi32>
        %lt3A = arith.constant 512 : i32
        %lt3A_106 = vector.broadcast %lt3A : i32 to vector<16xi32>
        %lt3A_107 = arith.cmpi slt, %convert_element_type3A_98, %lt3A_106 : vector<16xi32>
        %and3A = arith.andi %ge3A_105, %lt3A_107 : vector<16xi1>
        %ge3A_108 = arith.constant 0 : i32
        %ge3A_109 = vector.broadcast %ge3A_108 : i32 to vector<16xi32>
        %ge3A_110 = arith.cmpi sge, %convert_element_type3A_103, %ge3A_109 : vector<16xi32>
        %and3A_111 = arith.andi %and3A, %ge3A_110 : vector<16xi1>
        %lt3A_112 = arith.constant 512 : i32
        %lt3A_113 = vector.broadcast %lt3A_112 : i32 to vector<16xi32>
        %lt3A_114 = arith.cmpi slt, %convert_element_type3A_103, %lt3A_113 : vector<16xi32>
        %and3A_115 = arith.andi %and3A_111, %lt3A_114 : vector<16xi1>
        %mul3A_116 = arith.constant 512 : i32
        %mul3A_117 = vector.broadcast %mul3A_116 : i32 to vector<16xi32>
        %mul3A_118 = arith.muli %convert_element_type3A_103, %mul3A_117 : vector<16xi32>
        %add3A_119 = arith.addi %mul3A_118, %convert_element_type3A_98 : vector<16xi32>
        %mul3A_120 = arith.constant 256 : i32
        %mul3A_121 = arith.muli %scan3A_80, %mul3A_120 : i32
        %add3A_122 = arith.constant 0 : i32
        %add3A_123 = arith.addi %mul3A_121, %add3A_122 : i32
        %add3A_124 = vector.broadcast %add3A_123 : i32 to vector<16xi32>
        %add3A_125 = arith.addi %add3A_54, %add3A_124 : vector<16xi32>
        %select_n3A = arith.select %and3A_115, %add3A_119, %add3A_125 : vector<16xi1>, vector<16xi32>
        %mul3A_126 = arith.constant 2 : i32
        %mul3A_127 = arith.muli %mul3A_126, %scan3A_80 : i32
        %add3A_128 = arith.constant 0 : i32
        %add3A_129 = arith.addi %mul3A_127, %add3A_128 : i32
        %swap3A = arith.index_cast %add3A_129 : i32 to index
        %swap3A_130 = arith.constant 0 : index
        %swap3A_131 = tpu.vector_load %arg6[%swap3A, %swap3A_130] {strides = array<i32>} : memref<16x128xi32, #tpu.memory_space<vmem>>, vector<1x16xi32>,
        %swap3A_132 = vector.shape_cast %swap3A_131 : vector<1x16xi32> to vector<16xi32>
        %swap3A_133 = vector.shape_cast %select_n3A : vector<16xi32> to vector<1x16xi32>
        tpu.vector_store %arg6[%swap3A, %swap3A_130], %swap3A_133 {strides = array<i32>} : memref<16x128xi32, #tpu.memory_space<vmem>>, vector<1x16xi32>,
        %add3A_134 = arith.constant 1.600000e+01 : f32
        %add3A_135 = vector.broadcast %add3A_134 : f32 to vector<16xf32>
        %add3A_136 = arith.addf %convert_element_type3A, %add3A_135 : vector<16xf32>
        %mul3A_137 = arith.mulf %div3A_50, %add3A_136 : vector<16xf32>
        %add3A_138 = arith.addf %mul3A_137, %mul3A_85 : vector<16xf32>
        %add3A_139 = arith.constant 1.000000e+00 : f32
        %add3A_140 = vector.broadcast %add3A_139 : f32 to vector<16xf32>
        %add3A_141 = arith.addf %add3A_138, %add3A_140 : vector<16xf32>
        %mul3A_142 = arith.mulf %div3A, %add3A_136 : vector<16xf32>
        %add3A_143 = arith.addf %mul3A_142, %mul3A_83 : vector<16xf32>
        %add3A_144 = arith.addf %add3A_143, %div3A_46 : vector<16xf32>
        %div3A_145 = arith.divf %add3A_144, %add3A_141 : vector<16xf32>
        %convert_element_type3A_146 = arith.fptosi %div3A_145 : vector<16xf32> to vector<16xi32>
        %mul3A_147 = arith.mulf %div3A_47, %add3A_136 : vector<16xf32>
        %add3A_148 = arith.addf %mul3A_147, %mul3A_84 : vector<16xf32>
        %add3A_149 = arith.addf %add3A_148, %div3A_49 : vector<16xf32>
        %div3A_150 = arith.divf %add3A_149, %add3A_141 : vector<16xf32>
        %convert_element_type3A_151 = arith.fptosi %div3A_150 : vector<16xf32> to vector<16xi32>
        %ge3A_152 = arith.constant 0 : i32
        %ge3A_153 = vector.broadcast %ge3A_152 : i32 to vector<16xi32>
        %ge3A_154 = arith.cmpi sge, %convert_element_type3A_146, %ge3A_153 : vector<16xi32>
        %lt3A_155 = arith.constant 512 : i32
        %lt3A_156 = vector.broadcast %lt3A_155 : i32 to vector<16xi32>
        %lt3A_157 = arith.cmpi slt, %convert_element_type3A_146, %lt3A_156 : vector<16xi32>
        %and3A_158 = arith.andi %ge3A_154, %lt3A_157 : vector<16xi1>
        %ge3A_159 = arith.constant 0 : i32
        %ge3A_160 = vector.broadcast %ge3A_159 : i32 to vector<16xi32>
        %ge3A_161 = arith.cmpi sge, %convert_element_type3A_151, %ge3A_160 : vector<16xi32>
        %and3A_162 = arith.andi %and3A_158, %ge3A_161 : vector<16xi1>
        %lt3A_163 = arith.constant 512 : i32
        %lt3A_164 = vector.broadcast %lt3A_163 : i32 to vector<16xi32>
        %lt3A_165 = arith.cmpi slt, %convert_element_type3A_151, %lt3A_164 : vector<16xi32>
        %and3A_166 = arith.andi %and3A_162, %lt3A_165 : vector<16xi1>
        %mul3A_167 = arith.constant 512 : i32
        %mul3A_168 = vector.broadcast %mul3A_167 : i32 to vector<16xi32>
        %mul3A_169 = arith.muli %convert_element_type3A_151, %mul3A_168 : vector<16xi32>
        %add3A_170 = arith.addi %mul3A_169, %convert_element_type3A_146 : vector<16xi32>
        %mul3A_171 = arith.constant 256 : i32
        %mul3A_172 = arith.muli %scan3A_80, %mul3A_171 : i32
        %add3A_173 = arith.constant 16 : i32
        %add3A_174 = arith.addi %mul3A_172, %add3A_173 : i32
        %add3A_175 = vector.broadcast %add3A_174 : i32 to vector<16xi32>
        %add3A_176 = arith.addi %add3A_54, %add3A_175 : vector<16xi32>
        %select_n3A_177 = arith.select %and3A_166, %add3A_170, %add3A_176 : vector<16xi1>, vector<16xi32>
        %mul3A_178 = arith.constant 2 : i32
        %mul3A_179 = arith.muli %mul3A_178, %scan3A_80 : i32
        %add3A_180 = arith.constant 0 : i32
        %add3A_181 = arith.addi %mul3A_179, %add3A_180 : i32
        %swap3A_182 = arith.index_cast %add3A_181 : i32 to index
        %swap3A_183 = arith.constant 16 : index
        %swap3A_184 = tpu.vector_load %arg6[%swap3A_182, %swap3A_183] {strides = array<i32>} : memref<16x128xi32, #tpu.memory_space<vmem>>, vector<1x16xi32>,
        %swap3A_185 = vector.shape_cast %swap3A_184 : vector<1x16xi32> to vector<16xi32>
        %swap3A_186 = vector.shape_cast %select_n3A_177 : vector<16xi32> to vector<1x16xi32>
        tpu.vector_store %arg6[%swap3A_182, %swap3A_183], %swap3A_186 {strides = array<i32>} : memref<16x128xi32, #tpu.memory_space<vmem>>, vector<1x16xi32>,
        %add3A_187 = arith.constant 3.200000e+01 : f32
        %add3A_188 = vector.broadcast %add3A_187 : f32 to vector<16xf32>
        %add3A_189 = arith.addf %convert_element_type3A, %add3A_188 : vector<16xf32>
        %mul3A_190 = arith.mulf %div3A_50, %add3A_189 : vector<16xf32>
        %add3A_191 = arith.addf %mul3A_190, %mul3A_85 : vector<16xf32>
        %add3A_192 = arith.constant 1.000000e+00 : f32
        %add3A_193 = vector.broadcast %add3A_192 : f32 to vector<16xf32>
        %add3A_194 = arith.addf %add3A_191, %add3A_193 : vector<16xf32>
        %mul3A_195 = arith.mulf %div3A, %add3A_189 : vector<16xf32>
        %add3A_196 = arith.addf %mul3A_195, %mul3A_83 : vector<16xf32>
        %add3A_197 = arith.addf %add3A_196, %div3A_46 : vector<16xf32>
        %div3A_198 = arith.divf %add3A_197, %add3A_194 : vector<16xf32>
        %convert_element_type3A_199 = arith.fptosi %div3A_198 : vector<16xf32> to vector<16xi32>
        %mul3A_200 = arith.mulf %div3A_47, %add3A_189 : vector<16xf32>
        %add3A_201 = arith.addf %mul3A_200, %mul3A_84 : vector<16xf32>
        %add3A_202 = arith.addf %add3A_201, %div3A_49 : vector<16xf32>
        %div3A_203 = arith.divf %add3A_202, %add3A_194 : vector<16xf32>
        %convert_element_type3A_204 = arith.fptosi %div3A_203 : vector<16xf32> to vector<16xi32>
        %ge3A_205 = arith.constant 0 : i32
        %ge3A_206 = vector.broadcast %ge3A_205 : i32 to vector<16xi32>
        %ge3A_207 = arith.cmpi sge, %convert_element_type3A_199, %ge3A_206 : vector<16xi32>
        %lt3A_208 = arith.constant 512 : i32
        %lt3A_209 = vector.broadcast %lt3A_208 : i32 to vector<16xi32>
        %lt3A_210 = arith.cmpi slt, %convert_element_type3A_199, %lt3A_209 : vector<16xi32>
        %and3A_211 = arith.andi %ge3A_207, %lt3A_210 : vector<16xi1>
        %ge3A_212 = arith.constant 0 : i32
        %ge3A_213 = vector.broadcast %ge3A_212 : i32 to vector<16xi32>
        %ge3A_214 = arith.cmpi sge, %convert_element_type3A_204, %ge3A_213 : vector<16xi32>
        %and3A_215 = arith.andi %and3A_211, %ge3A_214 : vector<16xi1>
        %lt3A_216 = arith.constant 512 : i32
        %lt3A_217 = vector.broadcast %lt3A_216 : i32 to vector<16xi32>
        %lt3A_218 = arith.cmpi slt, %convert_element_type3A_204, %lt3A_217 : vector<16xi32>
        %and3A_219 = arith.andi %and3A_215, %lt3A_218 : vector<16xi1>
        %mul3A_220 = arith.constant 512 : i32
        %mul3A_221 = vector.broadcast %mul3A_220 : i32 to vector<16xi32>
        %mul3A_222 = arith.muli %convert_element_type3A_204, %mul3A_221 : vector<16xi32>
        %add3A_223 = arith.addi %mul3A_222, %convert_element_type3A_199 : vector<16xi32>
        %mul3A_224 = arith.constant 256 : i32
        %mul3A_225 = arith.muli %scan3A_80, %mul3A_224 : i32
        %add3A_226 = arith.constant 32 : i32
        %add3A_227 = arith.addi %mul3A_225, %add3A_226 : i32
        %add3A_228 = vector.broadcast %add3A_227 : i32 to vector<16xi32>
        %add3A_229 = arith.addi %add3A_54, %add3A_228 : vector<16xi32>
        %select_n3A_230 = arith.select %and3A_219, %add3A_223, %add3A_229 : vector<16xi1>, vector<16xi32>
        %mul3A_231 = arith.constant 2 : i32
        %mul3A_232 = arith.muli %mul3A_231, %scan3A_80 : i32
        %add3A_233 = arith.constant 0 : i32
        %add3A_234 = arith.addi %mul3A_232, %add3A_233 : i32
        %swap3A_235 = arith.index_cast %add3A_234 : i32 to index
        %swap3A_236 = arith.constant 32 : index
        %swap3A_237 = tpu.vector_load %arg6[%swap3A_235, %swap3A_236] {strides = array<i32>} : memref<16x128xi32, #tpu.memory_space<vmem>>, vector<1x16xi32>,
        %swap3A_238 = vector.shape_cast %swap3A_237 : vector<1x16xi32> to vector<16xi32>
        %swap3A_239 = vector.shape_cast %select_n3A_230 : vector<16xi32> to vector<1x16xi32>
        tpu.vector_store %arg6[%swap3A_235, %swap3A_236], %swap3A_239 {strides = array<i32>} : memref<16x128xi32, #tpu.memory_space<vmem>>, vector<1x16xi32>,
        %add3A_240 = arith.constant 4.800000e+01 : f32
        %add3A_241 = vector.broadcast %add3A_240 : f32 to vector<16xf32>
        %add3A_242 = arith.addf %convert_element_type3A, %add3A_241 : vector<16xf32>
        %mul3A_243 = arith.mulf %div3A_50, %add3A_242 : vector<16xf32>
        %add3A_244 = arith.addf %mul3A_243, %mul3A_85 : vector<16xf32>
        %add3A_245 = arith.constant 1.000000e+00 : f32
        %add3A_246 = vector.broadcast %add3A_245 : f32 to vector<16xf32>
        %add3A_247 = arith.addf %add3A_244, %add3A_246 : vector<16xf32>
        %mul3A_248 = arith.mulf %div3A, %add3A_242 : vector<16xf32>
        %add3A_249 = arith.addf %mul3A_248, %mul3A_83 : vector<16xf32>
        %add3A_250 = arith.addf %add3A_249, %div3A_46 : vector<16xf32>
        %div3A_251 = arith.divf %add3A_250, %add3A_247 : vector<16xf32>
        %convert_element_type3A_252 = arith.fptosi %div3A_251 : vector<16xf32> to vector<16xi32>
        %mul3A_253 = arith.mulf %div3A_47, %add3A_242 : vector<16xf32>
        %add3A_254 = arith.addf %mul3A_253, %mul3A_84 : vector<16xf32>
        %add3A_255 = arith.addf %add3A_254, %div3A_49 : vector<16xf32>
        %div3A_256 = arith.divf %add3A_255, %add3A_247 : vector<16xf32>
        %convert_element_type3A_257 = arith.fptosi %div3A_256 : vector<16xf32> to vector<16xi32>
        %ge3A_258 = arith.constant 0 : i32
        %ge3A_259 = vector.broadcast %ge3A_258 : i32 to vector<16xi32>
        %ge3A_260 = arith.cmpi sge, %convert_element_type3A_252, %ge3A_259 : vector<16xi32>
        %lt3A_261 = arith.constant 512 : i32
        %lt3A_262 = vector.broadcast %lt3A_261 : i32 to vector<16xi32>
        %lt3A_263 = arith.cmpi slt, %convert_element_type3A_252, %lt3A_262 : vector<16xi32>
        %and3A_264 = arith.andi %ge3A_260, %lt3A_263 : vector<16xi1>
        %ge3A_265 = arith.constant 0 : i32
        %ge3A_266 = vector.broadcast %ge3A_265 : i32 to vector<16xi32>
        %ge3A_267 = arith.cmpi sge, %convert_element_type3A_257, %ge3A_266 : vector<16xi32>
        %and3A_268 = arith.andi %and3A_264, %ge3A_267 : vector<16xi1>
        %lt3A_269 = arith.constant 512 : i32
        %lt3A_270 = vector.broadcast %lt3A_269 : i32 to vector<16xi32>
        %lt3A_271 = arith.cmpi slt, %convert_element_type3A_257, %lt3A_270 : vector<16xi32>
        %and3A_272 = arith.andi %and3A_268, %lt3A_271 : vector<16xi1>
        %mul3A_273 = arith.constant 512 : i32
        %mul3A_274 = vector.broadcast %mul3A_273 : i32 to vector<16xi32>
        %mul3A_275 = arith.muli %convert_element_type3A_257, %mul3A_274 : vector<16xi32>
        %add3A_276 = arith.addi %mul3A_275, %convert_element_type3A_252 : vector<16xi32>
        %mul3A_277 = arith.constant 256 : i32
        %mul3A_278 = arith.muli %scan3A_80, %mul3A_277 : i32
        %add3A_279 = arith.constant 48 : i32
        %add3A_280 = arith.addi %mul3A_278, %add3A_279 : i32
        %add3A_281 = vector.broadcast %add3A_280 : i32 to vector<16xi32>
        %add3A_282 = arith.addi %add3A_54, %add3A_281 : vector<16xi32>
        %select_n3A_283 = arith.select %and3A_272, %add3A_276, %add3A_282 : vector<16xi1>, vector<16xi32>
        %mul3A_284 = arith.constant 2 : i32
        %mul3A_285 = arith.muli %mul3A_284, %scan3A_80 : i32
        %add3A_286 = arith.constant 0 : i32
        %add3A_287 = arith.addi %mul3A_285, %add3A_286 : i32
        %swap3A_288 = arith.index_cast %add3A_287 : i32 to index
        %swap3A_289 = arith.constant 48 : index
        %swap3A_290 = tpu.vector_load %arg6[%swap3A_288, %swap3A_289] {strides = array<i32>} : memref<16x128xi32, #tpu.memory_space<vmem>>, vector<1x16xi32>,
        %swap3A_291 = vector.shape_cast %swap3A_290 : vector<1x16xi32> to vector<16xi32>
        %swap3A_292 = vector.shape_cast %select_n3A_283 : vector<16xi32> to vector<1x16xi32>
        tpu.vector_store %arg6[%swap3A_288, %swap3A_289], %swap3A_292 {strides = array<i32>} : memref<16x128xi32, #tpu.memory_space<vmem>>, vector<1x16xi32>,
        %add3A_293 = arith.constant 6.400000e+01 : f32
        %add3A_294 = vector.broadcast %add3A_293 : f32 to vector<16xf32>
        %add3A_295 = arith.addf %convert_element_type3A, %add3A_294 : vector<16xf32>
        %mul3A_296 = arith.mulf %div3A_50, %add3A_295 : vector<16xf32>
        %add3A_297 = arith.addf %mul3A_296, %mul3A_85 : vector<16xf32>
        %add3A_298 = arith.constant 1.000000e+00 : f32
        %add3A_299 = vector.broadcast %add3A_298 : f32 to vector<16xf32>
        %add3A_300 = arith.addf %add3A_297, %add3A_299 : vector<16xf32>
        %mul3A_301 = arith.mulf %div3A, %add3A_295 : vector<16xf32>
        %add3A_302 = arith.addf %mul3A_301, %mul3A_83 : vector<16xf32>
        %add3A_303 = arith.addf %add3A_302, %div3A_46 : vector<16xf32>
        %div3A_304 = arith.divf %add3A_303, %add3A_300 : vector<16xf32>
        %convert_element_type3A_305 = arith.fptosi %div3A_304 : vector<16xf32> to vector<16xi32>
        %mul3A_306 = arith.mulf %div3A_47, %add3A_295 : vector<16xf32>
        %add3A_307 = arith.addf %mul3A_306, %mul3A_84 : vector<16xf32>
        %add3A_308 = arith.addf %add3A_307, %div3A_49 : vector<16xf32>
        %div3A_309 = arith.divf %add3A_308, %add3A_300 : vector<16xf32>
        %convert_element_type3A_310 = arith.fptosi %div3A_309 : vector<16xf32> to vector<16xi32>
        %ge3A_311 = arith.constant 0 : i32
        %ge3A_312 = vector.broadcast %ge3A_311 : i32 to vector<16xi32>
        %ge3A_313 = arith.cmpi sge, %convert_element_type3A_305, %ge3A_312 : vector<16xi32>
        %lt3A_314 = arith.constant 512 : i32
        %lt3A_315 = vector.broadcast %lt3A_314 : i32 to vector<16xi32>
        %lt3A_316 = arith.cmpi slt, %convert_element_type3A_305, %lt3A_315 : vector<16xi32>
        %and3A_317 = arith.andi %ge3A_313, %lt3A_316 : vector<16xi1>
        %ge3A_318 = arith.constant 0 : i32
        %ge3A_319 = vector.broadcast %ge3A_318 : i32 to vector<16xi32>
        %ge3A_320 = arith.cmpi sge, %convert_element_type3A_310, %ge3A_319 : vector<16xi32>
        %and3A_321 = arith.andi %and3A_317, %ge3A_320 : vector<16xi1>
        %lt3A_322 = arith.constant 512 : i32
        %lt3A_323 = vector.broadcast %lt3A_322 : i32 to vector<16xi32>
        %lt3A_324 = arith.cmpi slt, %convert_element_type3A_310, %lt3A_323 : vector<16xi32>
        %and3A_325 = arith.andi %and3A_321, %lt3A_324 : vector<16xi1>
        %mul3A_326 = arith.constant 512 : i32
        %mul3A_327 = vector.broadcast %mul3A_326 : i32 to vector<16xi32>
        %mul3A_328 = arith.muli %convert_element_type3A_310, %mul3A_327 : vector<16xi32>
        %add3A_329 = arith.addi %mul3A_328, %convert_element_type3A_305 : vector<16xi32>
        %mul3A_330 = arith.constant 256 : i32
        %mul3A_331 = arith.muli %scan3A_80, %mul3A_330 : i32
        %add3A_332 = arith.constant 64 : i32
        %add3A_333 = arith.addi %mul3A_331, %add3A_332 : i32
        %add3A_334 = vector.broadcast %add3A_333 : i32 to vector<16xi32>
        %add3A_335 = arith.addi %add3A_54, %add3A_334 : vector<16xi32>
        %select_n3A_336 = arith.select %and3A_325, %add3A_329, %add3A_335 : vector<16xi1>, vector<16xi32>
        %mul3A_337 = arith.constant 2 : i32
        %mul3A_338 = arith.muli %mul3A_337, %scan3A_80 : i32
        %add3A_339 = arith.constant 0 : i32
        %add3A_340 = arith.addi %mul3A_338, %add3A_339 : i32
        %swap3A_341 = arith.index_cast %add3A_340 : i32 to index
        %swap3A_342 = arith.constant 64 : index
        %swap3A_343 = tpu.vector_load %arg6[%swap3A_341, %swap3A_342] {strides = array<i32>} : memref<16x128xi32, #tpu.memory_space<vmem>>, vector<1x16xi32>,
        %swap3A_344 = vector.shape_cast %swap3A_343 : vector<1x16xi32> to vector<16xi32>
        %swap3A_345 = vector.shape_cast %select_n3A_336 : vector<16xi32> to vector<1x16xi32>
        tpu.vector_store %arg6[%swap3A_341, %swap3A_342], %swap3A_345 {strides = array<i32>} : memref<16x128xi32, #tpu.memory_space<vmem>>, vector<1x16xi32>,
        %add3A_346 = arith.constant 8.000000e+01 : f32
        %add3A_347 = vector.broadcast %add3A_346 : f32 to vector<16xf32>
        %add3A_348 = arith.addf %convert_element_type3A, %add3A_347 : vector<16xf32>
        %mul3A_349 = arith.mulf %div3A_50, %add3A_348 : vector<16xf32>
        %add3A_350 = arith.addf %mul3A_349, %mul3A_85 : vector<16xf32>
        %add3A_351 = arith.constant 1.000000e+00 : f32
        %add3A_352 = vector.broadcast %add3A_351 : f32 to vector<16xf32>
        %add3A_353 = arith.addf %add3A_350, %add3A_352 : vector<16xf32>
        %mul3A_354 = arith.mulf %div3A, %add3A_348 : vector<16xf32>
        %add3A_355 = arith.addf %mul3A_354, %mul3A_83 : vector<16xf32>
        %add3A_356 = arith.addf %add3A_355, %div3A_46 : vector<16xf32>
        %div3A_357 = arith.divf %add3A_356, %add3A_353 : vector<16xf32>
        %convert_element_type3A_358 = arith.fptosi %div3A_357 : vector<16xf32> to vector<16xi32>
        %mul3A_359 = arith.mulf %div3A_47, %add3A_348 : vector<16xf32>
        %add3A_360 = arith.addf %mul3A_359, %mul3A_84 : vector<16xf32>
        %add3A_361 = arith.addf %add3A_360, %div3A_49 : vector<16xf32>
        %div3A_362 = arith.divf %add3A_361, %add3A_353 : vector<16xf32>
        %convert_element_type3A_363 = arith.fptosi %div3A_362 : vector<16xf32> to vector<16xi32>
        %ge3A_364 = arith.constant 0 : i32
        %ge3A_365 = vector.broadcast %ge3A_364 : i32 to vector<16xi32>
        %ge3A_366 = arith.cmpi sge, %convert_element_type3A_358, %ge3A_365 : vector<16xi32>
        %lt3A_367 = arith.constant 512 : i32
        %lt3A_368 = vector.broadcast %lt3A_367 : i32 to vector<16xi32>
        %lt3A_369 = arith.cmpi slt, %convert_element_type3A_358, %lt3A_368 : vector<16xi32>
        %and3A_370 = arith.andi %ge3A_366, %lt3A_369 : vector<16xi1>
        %ge3A_371 = arith.constant 0 : i32
        %ge3A_372 = vector.broadcast %ge3A_371 : i32 to vector<16xi32>
        %ge3A_373 = arith.cmpi sge, %convert_element_type3A_363, %ge3A_372 : vector<16xi32>
        %and3A_374 = arith.andi %and3A_370, %ge3A_373 : vector<16xi1>
        %lt3A_375 = arith.constant 512 : i32
        %lt3A_376 = vector.broadcast %lt3A_375 : i32 to vector<16xi32>
        %lt3A_377 = arith.cmpi slt, %convert_element_type3A_363, %lt3A_376 : vector<16xi32>
        %and3A_378 = arith.andi %and3A_374, %lt3A_377 : vector<16xi1>
        %mul3A_379 = arith.constant 512 : i32
        %mul3A_380 = vector.broadcast %mul3A_379 : i32 to vector<16xi32>
        %mul3A_381 = arith.muli %convert_element_type3A_363, %mul3A_380 : vector<16xi32>
        %add3A_382 = arith.addi %mul3A_381, %convert_element_type3A_358 : vector<16xi32>
        %mul3A_383 = arith.constant 256 : i32
        %mul3A_384 = arith.muli %scan3A_80, %mul3A_383 : i32
        %add3A_385 = arith.constant 80 : i32
        %add3A_386 = arith.addi %mul3A_384, %add3A_385 : i32
        %add3A_387 = vector.broadcast %add3A_386 : i32 to vector<16xi32>
        %add3A_388 = arith.addi %add3A_54, %add3A_387 : vector<16xi32>
        %select_n3A_389 = arith.select %and3A_378, %add3A_382, %add3A_388 : vector<16xi1>, vector<16xi32>
        %mul3A_390 = arith.constant 2 : i32
        %mul3A_391 = arith.muli %mul3A_390, %scan3A_80 : i32
        %add3A_392 = arith.constant 0 : i32
        %add3A_393 = arith.addi %mul3A_391, %add3A_392 : i32
        %swap3A_394 = arith.index_cast %add3A_393 : i32 to index
        %swap3A_395 = arith.constant 80 : index
        %swap3A_396 = tpu.vector_load %arg6[%swap3A_394, %swap3A_395] {strides = array<i32>} : memref<16x128xi32, #tpu.memory_space<vmem>>, vector<1x16xi32>,
        %swap3A_397 = vector.shape_cast %swap3A_396 : vector<1x16xi32> to vector<16xi32>
        %swap3A_398 = vector.shape_cast %select_n3A_389 : vector<16xi32> to vector<1x16xi32>
        tpu.vector_store %arg6[%swap3A_394, %swap3A_395], %swap3A_398 {strides = array<i32>} : memref<16x128xi32, #tpu.memory_space<vmem>>, vector<1x16xi32>,
        %add3A_399 = arith.constant 9.600000e+01 : f32
        %add3A_400 = vector.broadcast %add3A_399 : f32 to vector<16xf32>
        %add3A_401 = arith.addf %convert_element_type3A, %add3A_400 : vector<16xf32>
        %mul3A_402 = arith.mulf %div3A_50, %add3A_401 : vector<16xf32>
        %add3A_403 = arith.addf %mul3A_402, %mul3A_85 : vector<16xf32>
        %add3A_404 = arith.constant 1.000000e+00 : f32
        %add3A_405 = vector.broadcast %add3A_404 : f32 to vector<16xf32>
        %add3A_406 = arith.addf %add3A_403, %add3A_405 : vector<16xf32>
        %mul3A_407 = arith.mulf %div3A, %add3A_401 : vector<16xf32>
        %add3A_408 = arith.addf %mul3A_407, %mul3A_83 : vector<16xf32>
        %add3A_409 = arith.addf %add3A_408, %div3A_46 : vector<16xf32>
        %div3A_410 = arith.divf %add3A_409, %add3A_406 : vector<16xf32>
        %convert_element_type3A_411 = arith.fptosi %div3A_410 : vector<16xf32> to vector<16xi32>
        %mul3A_412 = arith.mulf %div3A_47, %add3A_401 : vector<16xf32>
        %add3A_413 = arith.addf %mul3A_412, %mul3A_84 : vector<16xf32>
        %add3A_414 = arith.addf %add3A_413, %div3A_49 : vector<16xf32>
        %div3A_415 = arith.divf %add3A_414, %add3A_406 : vector<16xf32>
        %convert_element_type3A_416 = arith.fptosi %div3A_415 : vector<16xf32> to vector<16xi32>
        %ge3A_417 = arith.constant 0 : i32
        %ge3A_418 = vector.broadcast %ge3A_417 : i32 to vector<16xi32>
        %ge3A_419 = arith.cmpi sge, %convert_element_type3A_411, %ge3A_418 : vector<16xi32>
        %lt3A_420 = arith.constant 512 : i32
        %lt3A_421 = vector.broadcast %lt3A_420 : i32 to vector<16xi32>
        %lt3A_422 = arith.cmpi slt, %convert_element_type3A_411, %lt3A_421 : vector<16xi32>
        %and3A_423 = arith.andi %ge3A_419, %lt3A_422 : vector<16xi1>
        %ge3A_424 = arith.constant 0 : i32
        %ge3A_425 = vector.broadcast %ge3A_424 : i32 to vector<16xi32>
        %ge3A_426 = arith.cmpi sge, %convert_element_type3A_416, %ge3A_425 : vector<16xi32>
        %and3A_427 = arith.andi %and3A_423, %ge3A_426 : vector<16xi1>
        %lt3A_428 = arith.constant 512 : i32
        %lt3A_429 = vector.broadcast %lt3A_428 : i32 to vector<16xi32>
        %lt3A_430 = arith.cmpi slt, %convert_element_type3A_416, %lt3A_429 : vector<16xi32>
        %and3A_431 = arith.andi %and3A_427, %lt3A_430 : vector<16xi1>
        %mul3A_432 = arith.constant 512 : i32
        %mul3A_433 = vector.broadcast %mul3A_432 : i32 to vector<16xi32>
        %mul3A_434 = arith.muli %convert_element_type3A_416, %mul3A_433 : vector<16xi32>
        %add3A_435 = arith.addi %mul3A_434, %convert_element_type3A_411 : vector<16xi32>
        %mul3A_436 = arith.constant 256 : i32
        %mul3A_437 = arith.muli %scan3A_80, %mul3A_436 : i32
        %add3A_438 = arith.constant 96 : i32
        %add3A_439 = arith.addi %mul3A_437, %add3A_438 : i32
        %add3A_440 = vector.broadcast %add3A_439 : i32 to vector<16xi32>
        %add3A_441 = arith.addi %add3A_54, %add3A_440 : vector<16xi32>
        %select_n3A_442 = arith.select %and3A_431, %add3A_435, %add3A_441 : vector<16xi1>, vector<16xi32>
        %mul3A_443 = arith.constant 2 : i32
        %mul3A_444 = arith.muli %mul3A_443, %scan3A_80 : i32
        %add3A_445 = arith.constant 0 : i32
        %add3A_446 = arith.addi %mul3A_444, %add3A_445 : i32
        %swap3A_447 = arith.index_cast %add3A_446 : i32 to index
        %swap3A_448 = arith.constant 96 : index
        %swap3A_449 = tpu.vector_load %arg6[%swap3A_447, %swap3A_448] {strides = array<i32>} : memref<16x128xi32, #tpu.memory_space<vmem>>, vector<1x16xi32>,
        %swap3A_450 = vector.shape_cast %swap3A_449 : vector<1x16xi32> to vector<16xi32>
        %swap3A_451 = vector.shape_cast %select_n3A_442 : vector<16xi32> to vector<1x16xi32>
        tpu.vector_store %arg6[%swap3A_447, %swap3A_448], %swap3A_451 {strides = array<i32>} : memref<16x128xi32, #tpu.memory_space<vmem>>, vector<1x16xi32>,
        %add3A_452 = arith.constant 1.120000e+02 : f32
        %add3A_453 = vector.broadcast %add3A_452 : f32 to vector<16xf32>
        %add3A_454 = arith.addf %convert_element_type3A, %add3A_453 : vector<16xf32>
        %mul3A_455 = arith.mulf %div3A_50, %add3A_454 : vector<16xf32>
        %add3A_456 = arith.addf %mul3A_455, %mul3A_85 : vector<16xf32>
        %add3A_457 = arith.constant 1.000000e+00 : f32
        %add3A_458 = vector.broadcast %add3A_457 : f32 to vector<16xf32>
        %add3A_459 = arith.addf %add3A_456, %add3A_458 : vector<16xf32>
        %mul3A_460 = arith.mulf %div3A, %add3A_454 : vector<16xf32>
        %add3A_461 = arith.addf %mul3A_460, %mul3A_83 : vector<16xf32>
        %add3A_462 = arith.addf %add3A_461, %div3A_46 : vector<16xf32>
        %div3A_463 = arith.divf %add3A_462, %add3A_459 : vector<16xf32>
        %convert_element_type3A_464 = arith.fptosi %div3A_463 : vector<16xf32> to vector<16xi32>
        %mul3A_465 = arith.mulf %div3A_47, %add3A_454 : vector<16xf32>
        %add3A_466 = arith.addf %mul3A_465, %mul3A_84 : vector<16xf32>
        %add3A_467 = arith.addf %add3A_466, %div3A_49 : vector<16xf32>
        %div3A_468 = arith.divf %add3A_467, %add3A_459 : vector<16xf32>
        %convert_element_type3A_469 = arith.fptosi %div3A_468 : vector<16xf32> to vector<16xi32>
        %ge3A_470 = arith.constant 0 : i32
        %ge3A_471 = vector.broadcast %ge3A_470 : i32 to vector<16xi32>
        %ge3A_472 = arith.cmpi sge, %convert_element_type3A_464, %ge3A_471 : vector<16xi32>
        %lt3A_473 = arith.constant 512 : i32
        %lt3A_474 = vector.broadcast %lt3A_473 : i32 to vector<16xi32>
        %lt3A_475 = arith.cmpi slt, %convert_element_type3A_464, %lt3A_474 : vector<16xi32>
        %and3A_476 = arith.andi %ge3A_472, %lt3A_475 : vector<16xi1>
        %ge3A_477 = arith.constant 0 : i32
        %ge3A_478 = vector.broadcast %ge3A_477 : i32 to vector<16xi32>
        %ge3A_479 = arith.cmpi sge, %convert_element_type3A_469, %ge3A_478 : vector<16xi32>
        %and3A_480 = arith.andi %and3A_476, %ge3A_479 : vector<16xi1>
        %lt3A_481 = arith.constant 512 : i32
        %lt3A_482 = vector.broadcast %lt3A_481 : i32 to vector<16xi32>
        %lt3A_483 = arith.cmpi slt, %convert_element_type3A_469, %lt3A_482 : vector<16xi32>
        %and3A_484 = arith.andi %and3A_480, %lt3A_483 : vector<16xi1>
        %mul3A_485 = arith.constant 512 : i32
        %mul3A_486 = vector.broadcast %mul3A_485 : i32 to vector<16xi32>
        %mul3A_487 = arith.muli %convert_element_type3A_469, %mul3A_486 : vector<16xi32>
        %add3A_488 = arith.addi %mul3A_487, %convert_element_type3A_464 : vector<16xi32>
        %mul3A_489 = arith.constant 256 : i32
        %mul3A_490 = arith.muli %scan3A_80, %mul3A_489 : i32
        %add3A_491 = arith.constant 112 : i32
        %add3A_492 = arith.addi %mul3A_490, %add3A_491 : i32
        %add3A_493 = vector.broadcast %add3A_492 : i32 to vector<16xi32>
        %add3A_494 = arith.addi %add3A_54, %add3A_493 : vector<16xi32>
        %select_n3A_495 = arith.select %and3A_484, %add3A_488, %add3A_494 : vector<16xi1>, vector<16xi32>
        %mul3A_496 = arith.constant 2 : i32
        %mul3A_497 = arith.muli %mul3A_496, %scan3A_80 : i32
        %add3A_498 = arith.constant 0 : i32
        %add3A_499 = arith.addi %mul3A_497, %add3A_498 : i32
        %swap3A_500 = arith.index_cast %add3A_499 : i32 to index
        %swap3A_501 = arith.constant 112 : index
        %swap3A_502 = tpu.vector_load %arg6[%swap3A_500, %swap3A_501] {strides = array<i32>} : memref<16x128xi32, #tpu.memory_space<vmem>>, vector<1x16xi32>,
        %swap3A_503 = vector.shape_cast %swap3A_502 : vector<1x16xi32> to vector<16xi32>
        %swap3A_504 = vector.shape_cast %select_n3A_495 : vector<16xi32> to vector<1x16xi32>
        tpu.vector_store %arg6[%swap3A_500, %swap3A_501], %swap3A_504 {strides = array<i32>} : memref<16x128xi32, #tpu.memory_space<vmem>>, vector<1x16xi32>,
        %add3A_505 = arith.constant 1.280000e+02 : f32
        %add3A_506 = vector.broadcast %add3A_505 : f32 to vector<16xf32>
        %add3A_507 = arith.addf %convert_element_type3A, %add3A_506 : vector<16xf32>
        %mul3A_508 = arith.mulf %div3A_50, %add3A_507 : vector<16xf32>
        %add3A_509 = arith.addf %mul3A_508, %mul3A_85 : vector<16xf32>
        %add3A_510 = arith.constant 1.000000e+00 : f32
        %add3A_511 = vector.broadcast %add3A_510 : f32 to vector<16xf32>
        %add3A_512 = arith.addf %add3A_509, %add3A_511 : vector<16xf32>
        %mul3A_513 = arith.mulf %div3A, %add3A_507 : vector<16xf32>
        %add3A_514 = arith.addf %mul3A_513, %mul3A_83 : vector<16xf32>
        %add3A_515 = arith.addf %add3A_514, %div3A_46 : vector<16xf32>
        %div3A_516 = arith.divf %add3A_515, %add3A_512 : vector<16xf32>
        %convert_element_type3A_517 = arith.fptosi %div3A_516 : vector<16xf32> to vector<16xi32>
        %mul3A_518 = arith.mulf %div3A_47, %add3A_507 : vector<16xf32>
        %add3A_519 = arith.addf %mul3A_518, %mul3A_84 : vector<16xf32>
        %add3A_520 = arith.addf %add3A_519, %div3A_49 : vector<16xf32>
        %div3A_521 = arith.divf %add3A_520, %add3A_512 : vector<16xf32>
        %convert_element_type3A_522 = arith.fptosi %div3A_521 : vector<16xf32> to vector<16xi32>
        %ge3A_523 = arith.constant 0 : i32
        %ge3A_524 = vector.broadcast %ge3A_523 : i32 to vector<16xi32>
        %ge3A_525 = arith.cmpi sge, %convert_element_type3A_517, %ge3A_524 : vector<16xi32>
        %lt3A_526 = arith.constant 512 : i32
        %lt3A_527 = vector.broadcast %lt3A_526 : i32 to vector<16xi32>
        %lt3A_528 = arith.cmpi slt, %convert_element_type3A_517, %lt3A_527 : vector<16xi32>
        %and3A_529 = arith.andi %ge3A_525, %lt3A_528 : vector<16xi1>
        %ge3A_530 = arith.constant 0 : i32
        %ge3A_531 = vector.broadcast %ge3A_530 : i32 to vector<16xi32>
        %ge3A_532 = arith.cmpi sge, %convert_element_type3A_522, %ge3A_531 : vector<16xi32>
        %and3A_533 = arith.andi %and3A_529, %ge3A_532 : vector<16xi1>
        %lt3A_534 = arith.constant 512 : i32
        %lt3A_535 = vector.broadcast %lt3A_534 : i32 to vector<16xi32>
        %lt3A_536 = arith.cmpi slt, %convert_element_type3A_522, %lt3A_535 : vector<16xi32>
        %and3A_537 = arith.andi %and3A_533, %lt3A_536 : vector<16xi1>
        %mul3A_538 = arith.constant 512 : i32
        %mul3A_539 = vector.broadcast %mul3A_538 : i32 to vector<16xi32>
        %mul3A_540 = arith.muli %convert_element_type3A_522, %mul3A_539 : vector<16xi32>
        %add3A_541 = arith.addi %mul3A_540, %convert_element_type3A_517 : vector<16xi32>
        %mul3A_542 = arith.constant 256 : i32
        %mul3A_543 = arith.muli %scan3A_80, %mul3A_542 : i32
        %add3A_544 = arith.constant 128 : i32
        %add3A_545 = arith.addi %mul3A_543, %add3A_544 : i32
        %add3A_546 = vector.broadcast %add3A_545 : i32 to vector<16xi32>
        %add3A_547 = arith.addi %add3A_54, %add3A_546 : vector<16xi32>
        %select_n3A_548 = arith.select %and3A_537, %add3A_541, %add3A_547 : vector<16xi1>, vector<16xi32>
        %mul3A_549 = arith.constant 2 : i32
        %mul3A_550 = arith.muli %mul3A_549, %scan3A_80 : i32
        %add3A_551 = arith.constant 1 : i32
        %add3A_552 = arith.addi %mul3A_550, %add3A_551 : i32
        %swap3A_553 = arith.index_cast %add3A_552 : i32 to index
        %swap3A_554 = arith.constant 0 : index
        %swap3A_555 = tpu.vector_load %arg6[%swap3A_553, %swap3A_554] {strides = array<i32>} : memref<16x128xi32, #tpu.memory_space<vmem>>, vector<1x16xi32>,
        %swap3A_556 = vector.shape_cast %swap3A_555 : vector<1x16xi32> to vector<16xi32>
        %swap3A_557 = vector.shape_cast %select_n3A_548 : vector<16xi32> to vector<1x16xi32>
        tpu.vector_store %arg6[%swap3A_553, %swap3A_554], %swap3A_557 {strides = array<i32>} : memref<16x128xi32, #tpu.memory_space<vmem>>, vector<1x16xi32>,
        %add3A_558 = arith.constant 1.440000e+02 : f32
        %add3A_559 = vector.broadcast %add3A_558 : f32 to vector<16xf32>
        %add3A_560 = arith.addf %convert_element_type3A, %add3A_559 : vector<16xf32>
        %mul3A_561 = arith.mulf %div3A_50, %add3A_560 : vector<16xf32>
        %add3A_562 = arith.addf %mul3A_561, %mul3A_85 : vector<16xf32>
        %add3A_563 = arith.constant 1.000000e+00 : f32
        %add3A_564 = vector.broadcast %add3A_563 : f32 to vector<16xf32>
        %add3A_565 = arith.addf %add3A_562, %add3A_564 : vector<16xf32>
        %mul3A_566 = arith.mulf %div3A, %add3A_560 : vector<16xf32>
        %add3A_567 = arith.addf %mul3A_566, %mul3A_83 : vector<16xf32>
        %add3A_568 = arith.addf %add3A_567, %div3A_46 : vector<16xf32>
        %div3A_569 = arith.divf %add3A_568, %add3A_565 : vector<16xf32>
        %convert_element_type3A_570 = arith.fptosi %div3A_569 : vector<16xf32> to vector<16xi32>
        %mul3A_571 = arith.mulf %div3A_47, %add3A_560 : vector<16xf32>
        %add3A_572 = arith.addf %mul3A_571, %mul3A_84 : vector<16xf32>
        %add3A_573 = arith.addf %add3A_572, %div3A_49 : vector<16xf32>
        %div3A_574 = arith.divf %add3A_573, %add3A_565 : vector<16xf32>
        %convert_element_type3A_575 = arith.fptosi %div3A_574 : vector<16xf32> to vector<16xi32>
        %ge3A_576 = arith.constant 0 : i32
        %ge3A_577 = vector.broadcast %ge3A_576 : i32 to vector<16xi32>
        %ge3A_578 = arith.cmpi sge, %convert_element_type3A_570, %ge3A_577 : vector<16xi32>
        %lt3A_579 = arith.constant 512 : i32
        %lt3A_580 = vector.broadcast %lt3A_579 : i32 to vector<16xi32>
        %lt3A_581 = arith.cmpi slt, %convert_element_type3A_570, %lt3A_580 : vector<16xi32>
        %and3A_582 = arith.andi %ge3A_578, %lt3A_581 : vector<16xi1>
        %ge3A_583 = arith.constant 0 : i32
        %ge3A_584 = vector.broadcast %ge3A_583 : i32 to vector<16xi32>
        %ge3A_585 = arith.cmpi sge, %convert_element_type3A_575, %ge3A_584 : vector<16xi32>
        %and3A_586 = arith.andi %and3A_582, %ge3A_585 : vector<16xi1>
        %lt3A_587 = arith.constant 512 : i32
        %lt3A_588 = vector.broadcast %lt3A_587 : i32 to vector<16xi32>
        %lt3A_589 = arith.cmpi slt, %convert_element_type3A_575, %lt3A_588 : vector<16xi32>
        %and3A_590 = arith.andi %and3A_586, %lt3A_589 : vector<16xi1>
        %mul3A_591 = arith.constant 512 : i32
        %mul3A_592 = vector.broadcast %mul3A_591 : i32 to vector<16xi32>
        %mul3A_593 = arith.muli %convert_element_type3A_575, %mul3A_592 : vector<16xi32>
        %add3A_594 = arith.addi %mul3A_593, %convert_element_type3A_570 : vector<16xi32>
        %mul3A_595 = arith.constant 256 : i32
        %mul3A_596 = arith.muli %scan3A_80, %mul3A_595 : i32
        %add3A_597 = arith.constant 144 : i32
        %add3A_598 = arith.addi %mul3A_596, %add3A_597 : i32
        %add3A_599 = vector.broadcast %add3A_598 : i32 to vector<16xi32>
        %add3A_600 = arith.addi %add3A_54, %add3A_599 : vector<16xi32>
        %select_n3A_601 = arith.select %and3A_590, %add3A_594, %add3A_600 : vector<16xi1>, vector<16xi32>
        %mul3A_602 = arith.constant 2 : i32
        %mul3A_603 = arith.muli %mul3A_602, %scan3A_80 : i32
        %add3A_604 = arith.constant 1 : i32
        %add3A_605 = arith.addi %mul3A_603, %add3A_604 : i32
        %swap3A_606 = arith.index_cast %add3A_605 : i32 to index
        %swap3A_607 = arith.constant 16 : index
        %swap3A_608 = tpu.vector_load %arg6[%swap3A_606, %swap3A_607] {strides = array<i32>} : memref<16x128xi32, #tpu.memory_space<vmem>>, vector<1x16xi32>,
        %swap3A_609 = vector.shape_cast %swap3A_608 : vector<1x16xi32> to vector<16xi32>
        %swap3A_610 = vector.shape_cast %select_n3A_601 : vector<16xi32> to vector<1x16xi32>
        tpu.vector_store %arg6[%swap3A_606, %swap3A_607], %swap3A_610 {strides = array<i32>} : memref<16x128xi32, #tpu.memory_space<vmem>>, vector<1x16xi32>,
        %add3A_611 = arith.constant 1.600000e+02 : f32
        %add3A_612 = vector.broadcast %add3A_611 : f32 to vector<16xf32>
        %add3A_613 = arith.addf %convert_element_type3A, %add3A_612 : vector<16xf32>
        %mul3A_614 = arith.mulf %div3A_50, %add3A_613 : vector<16xf32>
        %add3A_615 = arith.addf %mul3A_614, %mul3A_85 : vector<16xf32>
        %add3A_616 = arith.constant 1.000000e+00 : f32
        %add3A_617 = vector.broadcast %add3A_616 : f32 to vector<16xf32>
        %add3A_618 = arith.addf %add3A_615, %add3A_617 : vector<16xf32>
        %mul3A_619 = arith.mulf %div3A, %add3A_613 : vector<16xf32>
        %add3A_620 = arith.addf %mul3A_619, %mul3A_83 : vector<16xf32>
        %add3A_621 = arith.addf %add3A_620, %div3A_46 : vector<16xf32>
        %div3A_622 = arith.divf %add3A_621, %add3A_618 : vector<16xf32>
        %convert_element_type3A_623 = arith.fptosi %div3A_622 : vector<16xf32> to vector<16xi32>
        %mul3A_624 = arith.mulf %div3A_47, %add3A_613 : vector<16xf32>
        %add3A_625 = arith.addf %mul3A_624, %mul3A_84 : vector<16xf32>
        %add3A_626 = arith.addf %add3A_625, %div3A_49 : vector<16xf32>
        %div3A_627 = arith.divf %add3A_626, %add3A_618 : vector<16xf32>
        %convert_element_type3A_628 = arith.fptosi %div3A_627 : vector<16xf32> to vector<16xi32>
        %ge3A_629 = arith.constant 0 : i32
        %ge3A_630 = vector.broadcast %ge3A_629 : i32 to vector<16xi32>
        %ge3A_631 = arith.cmpi sge, %convert_element_type3A_623, %ge3A_630 : vector<16xi32>
        %lt3A_632 = arith.constant 512 : i32
        %lt3A_633 = vector.broadcast %lt3A_632 : i32 to vector<16xi32>
        %lt3A_634 = arith.cmpi slt, %convert_element_type3A_623, %lt3A_633 : vector<16xi32>
        %and3A_635 = arith.andi %ge3A_631, %lt3A_634 : vector<16xi1>
        %ge3A_636 = arith.constant 0 : i32
        %ge3A_637 = vector.broadcast %ge3A_636 : i32 to vector<16xi32>
        %ge3A_638 = arith.cmpi sge, %convert_element_type3A_628, %ge3A_637 : vector<16xi32>
        %and3A_639 = arith.andi %and3A_635, %ge3A_638 : vector<16xi1>
        %lt3A_640 = arith.constant 512 : i32
        %lt3A_641 = vector.broadcast %lt3A_640 : i32 to vector<16xi32>
        %lt3A_642 = arith.cmpi slt, %convert_element_type3A_628, %lt3A_641 : vector<16xi32>
        %and3A_643 = arith.andi %and3A_639, %lt3A_642 : vector<16xi1>
        %mul3A_644 = arith.constant 512 : i32
        %mul3A_645 = vector.broadcast %mul3A_644 : i32 to vector<16xi32>
        %mul3A_646 = arith.muli %convert_element_type3A_628, %mul3A_645 : vector<16xi32>
        %add3A_647 = arith.addi %mul3A_646, %convert_element_type3A_623 : vector<16xi32>
        %mul3A_648 = arith.constant 256 : i32
        %mul3A_649 = arith.muli %scan3A_80, %mul3A_648 : i32
        %add3A_650 = arith.constant 160 : i32
        %add3A_651 = arith.addi %mul3A_649, %add3A_650 : i32
        %add3A_652 = vector.broadcast %add3A_651 : i32 to vector<16xi32>
        %add3A_653 = arith.addi %add3A_54, %add3A_652 : vector<16xi32>
        %select_n3A_654 = arith.select %and3A_643, %add3A_647, %add3A_653 : vector<16xi1>, vector<16xi32>
        %mul3A_655 = arith.constant 2 : i32
        %mul3A_656 = arith.muli %mul3A_655, %scan3A_80 : i32
        %add3A_657 = arith.constant 1 : i32
        %add3A_658 = arith.addi %mul3A_656, %add3A_657 : i32
        %swap3A_659 = arith.index_cast %add3A_658 : i32 to index
        %swap3A_660 = arith.constant 32 : index
        %swap3A_661 = tpu.vector_load %arg6[%swap3A_659, %swap3A_660] {strides = array<i32>} : memref<16x128xi32, #tpu.memory_space<vmem>>, vector<1x16xi32>,
        %swap3A_662 = vector.shape_cast %swap3A_661 : vector<1x16xi32> to vector<16xi32>
        %swap3A_663 = vector.shape_cast %select_n3A_654 : vector<16xi32> to vector<1x16xi32>
        tpu.vector_store %arg6[%swap3A_659, %swap3A_660], %swap3A_663 {strides = array<i32>} : memref<16x128xi32, #tpu.memory_space<vmem>>, vector<1x16xi32>,
        %add3A_664 = arith.constant 1.760000e+02 : f32
        %add3A_665 = vector.broadcast %add3A_664 : f32 to vector<16xf32>
        %add3A_666 = arith.addf %convert_element_type3A, %add3A_665 : vector<16xf32>
        %mul3A_667 = arith.mulf %div3A_50, %add3A_666 : vector<16xf32>
        %add3A_668 = arith.addf %mul3A_667, %mul3A_85 : vector<16xf32>
        %add3A_669 = arith.constant 1.000000e+00 : f32
        %add3A_670 = vector.broadcast %add3A_669 : f32 to vector<16xf32>
        %add3A_671 = arith.addf %add3A_668, %add3A_670 : vector<16xf32>
        %mul3A_672 = arith.mulf %div3A, %add3A_666 : vector<16xf32>
        %add3A_673 = arith.addf %mul3A_672, %mul3A_83 : vector<16xf32>
        %add3A_674 = arith.addf %add3A_673, %div3A_46 : vector<16xf32>
        %div3A_675 = arith.divf %add3A_674, %add3A_671 : vector<16xf32>
        %convert_element_type3A_676 = arith.fptosi %div3A_675 : vector<16xf32> to vector<16xi32>
        %mul3A_677 = arith.mulf %div3A_47, %add3A_666 : vector<16xf32>
        %add3A_678 = arith.addf %mul3A_677, %mul3A_84 : vector<16xf32>
        %add3A_679 = arith.addf %add3A_678, %div3A_49 : vector<16xf32>
        %div3A_680 = arith.divf %add3A_679, %add3A_671 : vector<16xf32>
        %convert_element_type3A_681 = arith.fptosi %div3A_680 : vector<16xf32> to vector<16xi32>
        %ge3A_682 = arith.constant 0 : i32
        %ge3A_683 = vector.broadcast %ge3A_682 : i32 to vector<16xi32>
        %ge3A_684 = arith.cmpi sge, %convert_element_type3A_676, %ge3A_683 : vector<16xi32>
        %lt3A_685 = arith.constant 512 : i32
        %lt3A_686 = vector.broadcast %lt3A_685 : i32 to vector<16xi32>
        %lt3A_687 = arith.cmpi slt, %convert_element_type3A_676, %lt3A_686 : vector<16xi32>
        %and3A_688 = arith.andi %ge3A_684, %lt3A_687 : vector<16xi1>
        %ge3A_689 = arith.constant 0 : i32
        %ge3A_690 = vector.broadcast %ge3A_689 : i32 to vector<16xi32>
        %ge3A_691 = arith.cmpi sge, %convert_element_type3A_681, %ge3A_690 : vector<16xi32>
        %and3A_692 = arith.andi %and3A_688, %ge3A_691 : vector<16xi1>
        %lt3A_693 = arith.constant 512 : i32
        %lt3A_694 = vector.broadcast %lt3A_693 : i32 to vector<16xi32>
        %lt3A_695 = arith.cmpi slt, %convert_element_type3A_681, %lt3A_694 : vector<16xi32>
        %and3A_696 = arith.andi %and3A_692, %lt3A_695 : vector<16xi1>
        %mul3A_697 = arith.constant 512 : i32
        %mul3A_698 = vector.broadcast %mul3A_697 : i32 to vector<16xi32>
        %mul3A_699 = arith.muli %convert_element_type3A_681, %mul3A_698 : vector<16xi32>
        %add3A_700 = arith.addi %mul3A_699, %convert_element_type3A_676 : vector<16xi32>
        %mul3A_701 = arith.constant 256 : i32
        %mul3A_702 = arith.muli %scan3A_80, %mul3A_701 : i32
        %add3A_703 = arith.constant 176 : i32
        %add3A_704 = arith.addi %mul3A_702, %add3A_703 : i32
        %add3A_705 = vector.broadcast %add3A_704 : i32 to vector<16xi32>
        %add3A_706 = arith.addi %add3A_54, %add3A_705 : vector<16xi32>
        %select_n3A_707 = arith.select %and3A_696, %add3A_700, %add3A_706 : vector<16xi1>, vector<16xi32>
        %mul3A_708 = arith.constant 2 : i32
        %mul3A_709 = arith.muli %mul3A_708, %scan3A_80 : i32
        %add3A_710 = arith.constant 1 : i32
        %add3A_711 = arith.addi %mul3A_709, %add3A_710 : i32
        %swap3A_712 = arith.index_cast %add3A_711 : i32 to index
        %swap3A_713 = arith.constant 48 : index
        %swap3A_714 = tpu.vector_load %arg6[%swap3A_712, %swap3A_713] {strides = array<i32>} : memref<16x128xi32, #tpu.memory_space<vmem>>, vector<1x16xi32>,
        %swap3A_715 = vector.shape_cast %swap3A_714 : vector<1x16xi32> to vector<16xi32>
        %swap3A_716 = vector.shape_cast %select_n3A_707 : vector<16xi32> to vector<1x16xi32>
        tpu.vector_store %arg6[%swap3A_712, %swap3A_713], %swap3A_716 {strides = array<i32>} : memref<16x128xi32, #tpu.memory_space<vmem>>, vector<1x16xi32>,
        %add3A_717 = arith.constant 1.920000e+02 : f32
        %add3A_718 = vector.broadcast %add3A_717 : f32 to vector<16xf32>
        %add3A_719 = arith.addf %convert_element_type3A, %add3A_718 : vector<16xf32>
        %mul3A_720 = arith.mulf %div3A_50, %add3A_719 : vector<16xf32>
        %add3A_721 = arith.addf %mul3A_720, %mul3A_85 : vector<16xf32>
        %add3A_722 = arith.constant 1.000000e+00 : f32
        %add3A_723 = vector.broadcast %add3A_722 : f32 to vector<16xf32>
        %add3A_724 = arith.addf %add3A_721, %add3A_723 : vector<16xf32>
        %mul3A_725 = arith.mulf %div3A, %add3A_719 : vector<16xf32>
        %add3A_726 = arith.addf %mul3A_725, %mul3A_83 : vector<16xf32>
        %add3A_727 = arith.addf %add3A_726, %div3A_46 : vector<16xf32>
        %div3A_728 = arith.divf %add3A_727, %add3A_724 : vector<16xf32>
        %convert_element_type3A_729 = arith.fptosi %div3A_728 : vector<16xf32> to vector<16xi32>
        %mul3A_730 = arith.mulf %div3A_47, %add3A_719 : vector<16xf32>
        %add3A_731 = arith.addf %mul3A_730, %mul3A_84 : vector<16xf32>
        %add3A_732 = arith.addf %add3A_731, %div3A_49 : vector<16xf32>
        %div3A_733 = arith.divf %add3A_732, %add3A_724 : vector<16xf32>
        %convert_element_type3A_734 = arith.fptosi %div3A_733 : vector<16xf32> to vector<16xi32>
        %ge3A_735 = arith.constant 0 : i32
        %ge3A_736 = vector.broadcast %ge3A_735 : i32 to vector<16xi32>
        %ge3A_737 = arith.cmpi sge, %convert_element_type3A_729, %ge3A_736 : vector<16xi32>
        %lt3A_738 = arith.constant 512 : i32
        %lt3A_739 = vector.broadcast %lt3A_738 : i32 to vector<16xi32>
        %lt3A_740 = arith.cmpi slt, %convert_element_type3A_729, %lt3A_739 : vector<16xi32>
        %and3A_741 = arith.andi %ge3A_737, %lt3A_740 : vector<16xi1>
        %ge3A_742 = arith.constant 0 : i32
        %ge3A_743 = vector.broadcast %ge3A_742 : i32 to vector<16xi32>
        %ge3A_744 = arith.cmpi sge, %convert_element_type3A_734, %ge3A_743 : vector<16xi32>
        %and3A_745 = arith.andi %and3A_741, %ge3A_744 : vector<16xi1>
        %lt3A_746 = arith.constant 512 : i32
        %lt3A_747 = vector.broadcast %lt3A_746 : i32 to vector<16xi32>
        %lt3A_748 = arith.cmpi slt, %convert_element_type3A_734, %lt3A_747 : vector<16xi32>
        %and3A_749 = arith.andi %and3A_745, %lt3A_748 : vector<16xi1>
        %mul3A_750 = arith.constant 512 : i32
        %mul3A_751 = vector.broadcast %mul3A_750 : i32 to vector<16xi32>
        %mul3A_752 = arith.muli %convert_element_type3A_734, %mul3A_751 : vector<16xi32>
        %add3A_753 = arith.addi %mul3A_752, %convert_element_type3A_729 : vector<16xi32>
        %mul3A_754 = arith.constant 256 : i32
        %mul3A_755 = arith.muli %scan3A_80, %mul3A_754 : i32
        %add3A_756 = arith.constant 192 : i32
        %add3A_757 = arith.addi %mul3A_755, %add3A_756 : i32
        %add3A_758 = vector.broadcast %add3A_757 : i32 to vector<16xi32>
        %add3A_759 = arith.addi %add3A_54, %add3A_758 : vector<16xi32>
        %select_n3A_760 = arith.select %and3A_749, %add3A_753, %add3A_759 : vector<16xi1>, vector<16xi32>
        %mul3A_761 = arith.constant 2 : i32
        %mul3A_762 = arith.muli %mul3A_761, %scan3A_80 : i32
        %add3A_763 = arith.constant 1 : i32
        %add3A_764 = arith.addi %mul3A_762, %add3A_763 : i32
        %swap3A_765 = arith.index_cast %add3A_764 : i32 to index
        %swap3A_766 = arith.constant 64 : index
        %swap3A_767 = tpu.vector_load %arg6[%swap3A_765, %swap3A_766] {strides = array<i32>} : memref<16x128xi32, #tpu.memory_space<vmem>>, vector<1x16xi32>,
        %swap3A_768 = vector.shape_cast %swap3A_767 : vector<1x16xi32> to vector<16xi32>
        %swap3A_769 = vector.shape_cast %select_n3A_760 : vector<16xi32> to vector<1x16xi32>
        tpu.vector_store %arg6[%swap3A_765, %swap3A_766], %swap3A_769 {strides = array<i32>} : memref<16x128xi32, #tpu.memory_space<vmem>>, vector<1x16xi32>,
        %add3A_770 = arith.constant 2.080000e+02 : f32
        %add3A_771 = vector.broadcast %add3A_770 : f32 to vector<16xf32>
        %add3A_772 = arith.addf %convert_element_type3A, %add3A_771 : vector<16xf32>
        %mul3A_773 = arith.mulf %div3A_50, %add3A_772 : vector<16xf32>
        %add3A_774 = arith.addf %mul3A_773, %mul3A_85 : vector<16xf32>
        %add3A_775 = arith.constant 1.000000e+00 : f32
        %add3A_776 = vector.broadcast %add3A_775 : f32 to vector<16xf32>
        %add3A_777 = arith.addf %add3A_774, %add3A_776 : vector<16xf32>
        %mul3A_778 = arith.mulf %div3A, %add3A_772 : vector<16xf32>
        %add3A_779 = arith.addf %mul3A_778, %mul3A_83 : vector<16xf32>
        %add3A_780 = arith.addf %add3A_779, %div3A_46 : vector<16xf32>
        %div3A_781 = arith.divf %add3A_780, %add3A_777 : vector<16xf32>
        %convert_element_type3A_782 = arith.fptosi %div3A_781 : vector<16xf32> to vector<16xi32>
        %mul3A_783 = arith.mulf %div3A_47, %add3A_772 : vector<16xf32>
        %add3A_784 = arith.addf %mul3A_783, %mul3A_84 : vector<16xf32>
        %add3A_785 = arith.addf %add3A_784, %div3A_49 : vector<16xf32>
        %div3A_786 = arith.divf %add3A_785, %add3A_777 : vector<16xf32>
        %convert_element_type3A_787 = arith.fptosi %div3A_786 : vector<16xf32> to vector<16xi32>
        %ge3A_788 = arith.constant 0 : i32
        %ge3A_789 = vector.broadcast %ge3A_788 : i32 to vector<16xi32>
        %ge3A_790 = arith.cmpi sge, %convert_element_type3A_782, %ge3A_789 : vector<16xi32>
        %lt3A_791 = arith.constant 512 : i32
        %lt3A_792 = vector.broadcast %lt3A_791 : i32 to vector<16xi32>
        %lt3A_793 = arith.cmpi slt, %convert_element_type3A_782, %lt3A_792 : vector<16xi32>
        %and3A_794 = arith.andi %ge3A_790, %lt3A_793 : vector<16xi1>
        %ge3A_795 = arith.constant 0 : i32
        %ge3A_796 = vector.broadcast %ge3A_795 : i32 to vector<16xi32>
        %ge3A_797 = arith.cmpi sge, %convert_element_type3A_787, %ge3A_796 : vector<16xi32>
        %and3A_798 = arith.andi %and3A_794, %ge3A_797 : vector<16xi1>
        %lt3A_799 = arith.constant 512 : i32
        %lt3A_800 = vector.broadcast %lt3A_799 : i32 to vector<16xi32>
        %lt3A_801 = arith.cmpi slt, %convert_element_type3A_787, %lt3A_800 : vector<16xi32>
        %and3A_802 = arith.andi %and3A_798, %lt3A_801 : vector<16xi1>
        %mul3A_803 = arith.constant 512 : i32
        %mul3A_804 = vector.broadcast %mul3A_803 : i32 to vector<16xi32>
        %mul3A_805 = arith.muli %convert_element_type3A_787, %mul3A_804 : vector<16xi32>
        %add3A_806 = arith.addi %mul3A_805, %convert_element_type3A_782 : vector<16xi32>
        %mul3A_807 = arith.constant 256 : i32
        %mul3A_808 = arith.muli %scan3A_80, %mul3A_807 : i32
        %add3A_809 = arith.constant 208 : i32
        %add3A_810 = arith.addi %mul3A_808, %add3A_809 : i32
        %add3A_811 = vector.broadcast %add3A_810 : i32 to vector<16xi32>
        %add3A_812 = arith.addi %add3A_54, %add3A_811 : vector<16xi32>
        %select_n3A_813 = arith.select %and3A_802, %add3A_806, %add3A_812 : vector<16xi1>, vector<16xi32>
        %mul3A_814 = arith.constant 2 : i32
        %mul3A_815 = arith.muli %mul3A_814, %scan3A_80 : i32
        %add3A_816 = arith.constant 1 : i32
        %add3A_817 = arith.addi %mul3A_815, %add3A_816 : i32
        %swap3A_818 = arith.index_cast %add3A_817 : i32 to index
        %swap3A_819 = arith.constant 80 : index
        %swap3A_820 = tpu.vector_load %arg6[%swap3A_818, %swap3A_819] {strides = array<i32>} : memref<16x128xi32, #tpu.memory_space<vmem>>, vector<1x16xi32>,
        %swap3A_821 = vector.shape_cast %swap3A_820 : vector<1x16xi32> to vector<16xi32>
        %swap3A_822 = vector.shape_cast %select_n3A_813 : vector<16xi32> to vector<1x16xi32>
        tpu.vector_store %arg6[%swap3A_818, %swap3A_819], %swap3A_822 {strides = array<i32>} : memref<16x128xi32, #tpu.memory_space<vmem>>, vector<1x16xi32>,
        %add3A_823 = arith.constant 2.240000e+02 : f32
        %add3A_824 = vector.broadcast %add3A_823 : f32 to vector<16xf32>
        %add3A_825 = arith.addf %convert_element_type3A, %add3A_824 : vector<16xf32>
        %mul3A_826 = arith.mulf %div3A_50, %add3A_825 : vector<16xf32>
        %add3A_827 = arith.addf %mul3A_826, %mul3A_85 : vector<16xf32>
        %add3A_828 = arith.constant 1.000000e+00 : f32
        %add3A_829 = vector.broadcast %add3A_828 : f32 to vector<16xf32>
        %add3A_830 = arith.addf %add3A_827, %add3A_829 : vector<16xf32>
        %mul3A_831 = arith.mulf %div3A, %add3A_825 : vector<16xf32>
        %add3A_832 = arith.addf %mul3A_831, %mul3A_83 : vector<16xf32>
        %add3A_833 = arith.addf %add3A_832, %div3A_46 : vector<16xf32>
        %div3A_834 = arith.divf %add3A_833, %add3A_830 : vector<16xf32>
        %convert_element_type3A_835 = arith.fptosi %div3A_834 : vector<16xf32> to vector<16xi32>
        %mul3A_836 = arith.mulf %div3A_47, %add3A_825 : vector<16xf32>
        %add3A_837 = arith.addf %mul3A_836, %mul3A_84 : vector<16xf32>
        %add3A_838 = arith.addf %add3A_837, %div3A_49 : vector<16xf32>
        %div3A_839 = arith.divf %add3A_838, %add3A_830 : vector<16xf32>
        %convert_element_type3A_840 = arith.fptosi %div3A_839 : vector<16xf32> to vector<16xi32>
        %ge3A_841 = arith.constant 0 : i32
        %ge3A_842 = vector.broadcast %ge3A_841 : i32 to vector<16xi32>
        %ge3A_843 = arith.cmpi sge, %convert_element_type3A_835, %ge3A_842 : vector<16xi32>
        %lt3A_844 = arith.constant 512 : i32
        %lt3A_845 = vector.broadcast %lt3A_844 : i32 to vector<16xi32>
        %lt3A_846 = arith.cmpi slt, %convert_element_type3A_835, %lt3A_845 : vector<16xi32>
        %and3A_847 = arith.andi %ge3A_843, %lt3A_846 : vector<16xi1>
        %ge3A_848 = arith.constant 0 : i32
        %ge3A_849 = vector.broadcast %ge3A_848 : i32 to vector<16xi32>
        %ge3A_850 = arith.cmpi sge, %convert_element_type3A_840, %ge3A_849 : vector<16xi32>
        %and3A_851 = arith.andi %and3A_847, %ge3A_850 : vector<16xi1>
        %lt3A_852 = arith.constant 512 : i32
        %lt3A_853 = vector.broadcast %lt3A_852 : i32 to vector<16xi32>
        %lt3A_854 = arith.cmpi slt, %convert_element_type3A_840, %lt3A_853 : vector<16xi32>
        %and3A_855 = arith.andi %and3A_851, %lt3A_854 : vector<16xi1>
        %mul3A_856 = arith.constant 512 : i32
        %mul3A_857 = vector.broadcast %mul3A_856 : i32 to vector<16xi32>
        %mul3A_858 = arith.muli %convert_element_type3A_840, %mul3A_857 : vector<16xi32>
        %add3A_859 = arith.addi %mul3A_858, %convert_element_type3A_835 : vector<16xi32>
        %mul3A_860 = arith.constant 256 : i32
        %mul3A_861 = arith.muli %scan3A_80, %mul3A_860 : i32
        %add3A_862 = arith.constant 224 : i32
        %add3A_863 = arith.addi %mul3A_861, %add3A_862 : i32
        %add3A_864 = vector.broadcast %add3A_863 : i32 to vector<16xi32>
        %add3A_865 = arith.addi %add3A_54, %add3A_864 : vector<16xi32>
        %select_n3A_866 = arith.select %and3A_855, %add3A_859, %add3A_865 : vector<16xi1>, vector<16xi32>
        %mul3A_867 = arith.constant 2 : i32
        %mul3A_868 = arith.muli %mul3A_867, %scan3A_80 : i32
        %add3A_869 = arith.constant 1 : i32
        %add3A_870 = arith.addi %mul3A_868, %add3A_869 : i32
        %swap3A_871 = arith.index_cast %add3A_870 : i32 to index
        %swap3A_872 = arith.constant 96 : index
        %swap3A_873 = tpu.vector_load %arg6[%swap3A_871, %swap3A_872] {strides = array<i32>} : memref<16x128xi32, #tpu.memory_space<vmem>>, vector<1x16xi32>,
        %swap3A_874 = vector.shape_cast %swap3A_873 : vector<1x16xi32> to vector<16xi32>
        %swap3A_875 = vector.shape_cast %select_n3A_866 : vector<16xi32> to vector<1x16xi32>
        tpu.vector_store %arg6[%swap3A_871, %swap3A_872], %swap3A_875 {strides = array<i32>} : memref<16x128xi32, #tpu.memory_space<vmem>>, vector<1x16xi32>,
        %add3A_876 = arith.constant 2.400000e+02 : f32
        %add3A_877 = vector.broadcast %add3A_876 : f32 to vector<16xf32>
        %add3A_878 = arith.addf %convert_element_type3A, %add3A_877 : vector<16xf32>
        %mul3A_879 = arith.mulf %div3A_50, %add3A_878 : vector<16xf32>
        %add3A_880 = arith.addf %mul3A_879, %mul3A_85 : vector<16xf32>
        %add3A_881 = arith.constant 1.000000e+00 : f32
        %add3A_882 = vector.broadcast %add3A_881 : f32 to vector<16xf32>
        %add3A_883 = arith.addf %add3A_880, %add3A_882 : vector<16xf32>
        %mul3A_884 = arith.mulf %div3A, %add3A_878 : vector<16xf32>
        %add3A_885 = arith.addf %mul3A_884, %mul3A_83 : vector<16xf32>
        %add3A_886 = arith.addf %add3A_885, %div3A_46 : vector<16xf32>
        %div3A_887 = arith.divf %add3A_886, %add3A_883 : vector<16xf32>
        %convert_element_type3A_888 = arith.fptosi %div3A_887 : vector<16xf32> to vector<16xi32>
        %mul3A_889 = arith.mulf %div3A_47, %add3A_878 : vector<16xf32>
        %add3A_890 = arith.addf %mul3A_889, %mul3A_84 : vector<16xf32>
        %add3A_891 = arith.addf %add3A_890, %div3A_49 : vector<16xf32>
        %div3A_892 = arith.divf %add3A_891, %add3A_883 : vector<16xf32>
        %convert_element_type3A_893 = arith.fptosi %div3A_892 : vector<16xf32> to vector<16xi32>
        %ge3A_894 = arith.constant 0 : i32
        %ge3A_895 = vector.broadcast %ge3A_894 : i32 to vector<16xi32>
        %ge3A_896 = arith.cmpi sge, %convert_element_type3A_888, %ge3A_895 : vector<16xi32>
        %lt3A_897 = arith.constant 512 : i32
        %lt3A_898 = vector.broadcast %lt3A_897 : i32 to vector<16xi32>
        %lt3A_899 = arith.cmpi slt, %convert_element_type3A_888, %lt3A_898 : vector<16xi32>
        %and3A_900 = arith.andi %ge3A_896, %lt3A_899 : vector<16xi1>
        %ge3A_901 = arith.constant 0 : i32
        %ge3A_902 = vector.broadcast %ge3A_901 : i32 to vector<16xi32>
        %ge3A_903 = arith.cmpi sge, %convert_element_type3A_893, %ge3A_902 : vector<16xi32>
        %and3A_904 = arith.andi %and3A_900, %ge3A_903 : vector<16xi1>
        %lt3A_905 = arith.constant 512 : i32
        %lt3A_906 = vector.broadcast %lt3A_905 : i32 to vector<16xi32>
        %lt3A_907 = arith.cmpi slt, %convert_element_type3A_893, %lt3A_906 : vector<16xi32>
        %and3A_908 = arith.andi %and3A_904, %lt3A_907 : vector<16xi1>
        %mul3A_909 = arith.constant 512 : i32
        %mul3A_910 = vector.broadcast %mul3A_909 : i32 to vector<16xi32>
        %mul3A_911 = arith.muli %convert_element_type3A_893, %mul3A_910 : vector<16xi32>
        %add3A_912 = arith.addi %mul3A_911, %convert_element_type3A_888 : vector<16xi32>
        %mul3A_913 = arith.constant 256 : i32
        %mul3A_914 = arith.muli %scan3A_80, %mul3A_913 : i32
        %add3A_915 = arith.constant 240 : i32
        %add3A_916 = arith.addi %mul3A_914, %add3A_915 : i32
        %add3A_917 = vector.broadcast %add3A_916 : i32 to vector<16xi32>
        %add3A_918 = arith.addi %add3A_54, %add3A_917 : vector<16xi32>
        %select_n3A_919 = arith.select %and3A_908, %add3A_912, %add3A_918 : vector<16xi1>, vector<16xi32>
        %mul3A_920 = arith.constant 2 : i32
        %mul3A_921 = arith.muli %mul3A_920, %scan3A_80 : i32
        %add3A_922 = arith.constant 1 : i32
        %add3A_923 = arith.addi %mul3A_921, %add3A_922 : i32
        %swap3A_924 = arith.index_cast %add3A_923 : i32 to index
        %swap3A_925 = arith.constant 112 : index
        %swap3A_926 = tpu.vector_load %arg6[%swap3A_924, %swap3A_925] {strides = array<i32>} : memref<16x128xi32, #tpu.memory_space<vmem>>, vector<1x16xi32>,
        %swap3A_927 = vector.shape_cast %swap3A_926 : vector<1x16xi32> to vector<16xi32>
        %swap3A_928 = vector.shape_cast %select_n3A_919 : vector<16xi32> to vector<1x16xi32>
        tpu.vector_store %arg6[%swap3A_924, %swap3A_925], %swap3A_928 {strides = array<i32>} : memref<16x128xi32, #tpu.memory_space<vmem>>, vector<1x16xi32>,
      }
      %scan3A_67 = arith.constant 8 : i32
      %scan3A_68 = arith.constant 0 : i32
      %scan3A_69 = arith.constant 16 : i32
      %scan3A_70 = arith.addi %scan3A_68, %scan3A_69 : i32
      %scan3A_71 = arith.constant 1 : i32
      scf.for %scan3A_80 = %scan3A_68 to %scan3A_70 step %scan3A_71  : i32 {
        %mul3A_81 = arith.constant 128 : i32
        %mul3A_82 = arith.muli %scan3A_80, %mul3A_81 : i32
        %dma_start3A = arith.constant 0 : i32
        %dma_start3A_83 = tpu.memref_slice %arg7[%mul3A_82, %dma_start3A] : memref<2048x8xf32, #tpu.memory_space<vmem>> -> memref<128x8xf32, #tpu.memory_space<vmem>>
        %dma_start3A_84 = arith.constant 0 : i32
        %dma_start3A_85 = tpu.memref_slice %arg6[%scan3A_80, %dma_start3A_84] : memref<16x128xi32, #tpu.memory_space<vmem>> -> memref<1x128xi32, #tpu.memory_space<vmem>>
        %dma_start3A_86 = tpu.memref_squeeze %dma_start3A_85 : memref<1x128xi32, #tpu.memory_space<vmem>> -> memref<128xi32, #tpu.memory_space<vmem>>
        %dma_start3A_87 = arith.constant 0 : i32
        %dma_start3A_88 = arith.constant 0 : i32
        %dma_start3A_89 = tpu.memref_slice %arg2[%dma_start3A_87, %dma_start3A_88] : memref<264192x8xf32, #tpu.memory_space<hbm>> -> memref<264192x8xf32, #tpu.memory_space<hbm>>
        tpu.enqueue_indirect_dma source(%dma_start3A_89 : memref<264192x8xf32, #tpu.memory_space<hbm>>) target(%dma_start3A_83 : memref<128x8xf32, #tpu.memory_space<vmem>>) offsets(%dma_start3A_86 : memref<128xi32, #tpu.memory_space<vmem>>) semaphore(%arg8 : memref<!tpu.dma_semaphore, #tpu.memory_space<semaphore_mem>>)
      }
      %scan3A_72 = arith.constant 16 : i32
      %scan3A_73 = arith.constant 0 : i32
      %scan3A_74 = arith.constant 16 : i32
      %scan3A_75 = arith.addi %scan3A_73, %scan3A_74 : i32
      %scan3A_76 = arith.constant 1 : i32
      scf.for %scan3A_80 = %scan3A_73 to %scan3A_75 step %scan3A_76  : i32 {
        %mul3A_81 = arith.constant 128 : i32
        %mul3A_82 = arith.muli %scan3A_80, %mul3A_81 : i32
        %dma_wait3A = arith.constant 0 : i32
        %dma_wait3A_83 = tpu.memref_slice %arg7[%mul3A_82, %dma_wait3A] : memref<2048x8xf32, #tpu.memory_space<vmem>> -> memref<128x8xf32, #tpu.memory_space<vmem>>
        %dma_wait3A_84 = arith.constant 0 : i32
        %dma_wait3A_85 = tpu.memref_slice %arg6[%scan3A_80, %dma_wait3A_84] : memref<16x128xi32, #tpu.memory_space<vmem>> -> memref<1x128xi32, #tpu.memory_space<vmem>>
        %dma_wait3A_86 = tpu.memref_squeeze %dma_wait3A_85 : memref<1x128xi32, #tpu.memory_space<vmem>> -> memref<128xi32, #tpu.memory_space<vmem>>
        %dma_wait3A_87 = arith.constant 0 : i32
        %dma_wait3A_88 = arith.constant 0 : i32
        %dma_wait3A_89 = tpu.memref_slice %arg2[%dma_wait3A_87, %dma_wait3A_88] : memref<264192x8xf32, #tpu.memory_space<hbm>> -> memref<264192x8xf32, #tpu.memory_space<hbm>>
        tpu.wait_indirect_dma semaphore(%arg8 : memref<!tpu.dma_semaphore, #tpu.memory_space<semaphore_mem>>) src(%dma_wait3A_89 : memref<264192x8xf32, #tpu.memory_space<hbm>>) dst(%dma_wait3A_83 : memref<128x8xf32, #tpu.memory_space<vmem>>)
      }
      %scan3A_77 = arith.constant 16 : i32
      %mul3A_78 = arith.constant 2048 : i32
      %mul3A_79 = arith.muli %scan3A_60, %mul3A_78 : i32
      "tpu.region"() ({
        %run_scoped3A = tpu.sem_alloc : memref<!tpu.dma_semaphore, #tpu.memory_space<semaphore_mem>>
        %dma_start3A = arith.constant 0 : i32
        %dma_start3A_80 = tpu.memref_slice %arg4[%add3A, %mul3A_79, %dma_start3A] : memref<32x65536x8xf32, #tpu.memory_space<hbm>> -> memref<1x2048x8xf32, #tpu.memory_space<hbm>>
        %dma_start3A_81 = tpu.memref_squeeze %dma_start3A_80 : memref<1x2048x8xf32, #tpu.memory_space<hbm>> -> memref<2048x8xf32, #tpu.memory_space<hbm>>
        %dma_start3A_82 = arith.constant 0 : i32
        %dma_start3A_83 = tpu.memref_slice %arg4[%add3A, %mul3A_79, %dma_start3A_82] : memref<32x65536x8xf32, #tpu.memory_space<hbm>> -> memref<1x2048x8xf32, #tpu.memory_space<hbm>>
        %dma_start3A_84 = tpu.memref_squeeze %dma_start3A_83 : memref<1x2048x8xf32, #tpu.memory_space<hbm>> -> memref<2048x8xf32, #tpu.memory_space<hbm>>
        tpu.enqueue_dma source(%arg7 : memref<2048x8xf32, #tpu.memory_space<vmem>>) target(%dma_start3A_84 : memref<2048x8xf32, #tpu.memory_space<hbm>>) target_semaphore(%run_scoped3A : memref<!tpu.dma_semaphore, #tpu.memory_space<semaphore_mem>>)
        %dma_wait3A = arith.constant 0 : i32
        %dma_wait3A_85 = tpu.memref_slice %arg4[%add3A, %mul3A_79, %dma_wait3A] : memref<32x65536x8xf32, #tpu.memory_space<hbm>> -> memref<1x2048x8xf32, #tpu.memory_space<hbm>>
        %dma_wait3A_86 = tpu.memref_squeeze %dma_wait3A_85 : memref<1x2048x8xf32, #tpu.memory_space<hbm>> -> memref<2048x8xf32, #tpu.memory_space<hbm>>
        %dma_wait3A_87 = arith.constant 0 : i32
        %dma_wait3A_88 = tpu.memref_slice %arg4[%add3A, %mul3A_79, %dma_wait3A_87] : memref<32x65536x8xf32, #tpu.memory_space<hbm>> -> memref<1x2048x8xf32, #tpu.memory_space<hbm>>
        %dma_wait3A_89 = tpu.memref_squeeze %dma_wait3A_88 : memref<1x2048x8xf32, #tpu.memory_space<hbm>> -> memref<2048x8xf32, #tpu.memory_space<hbm>>
        tpu.wait_dma2 semaphore(%run_scoped3A : memref<!tpu.dma_semaphore, #tpu.memory_space<semaphore_mem>>) src(%arg7 : memref<2048x8xf32, #tpu.memory_space<vmem>>) dst(%dma_wait3A_89 : memref<2048x8xf32, #tpu.memory_space<hbm>>)
        tpu.yield
      }) : () -> ()
    }
    %scan3A_59 = arith.constant 32 : i32
    return
  }
}

</mosaic_0001>

<sc_bundles>
// kernel: _run.3.cloned.1.call-start
scs
__scs_entry_jumppad:
0x0: {  	(pc) =	sbr.rel $0x88, $3  }
0x1: {  	(tag) =	ssettag $0x0;
	lr =	simm.s32 $0x1  }
0x2: {  	[smem:$0x3F9F] =	sst lr;
	_ =	strace $0xD0000000  }
0x3: {  	_ = 	snop  }
0x4: {  	_ = 	snop  }
0x5: {  	_ = 	snop  }
0x6: {  	_ = 	snop  }
0x7: {  	_ = 	snop  }
__scs_overlays_trampoline_lowered:
0x8: {  	[smem:$0x3FAE] =	sst s0  }
0x9: {  	[smem:$0x3FAF] =	sst s1  }
0xa: {  	[smem:$0x3FB0] =	sst s2  }
0xb: {  	[smem:$0x3FB1] =	sst s3  }
0xc: {  	[smem:$0x3FB2] =	sst s4  }
0xd: {  	[smem:$0x3FB3] =	sst s5  }
0xe: {  	[smem:$0x3FB4] =	sst s6  }
0xf: {  	[smem:$0x3FB5] =	sst s7  }
0x10: {  	[smem:$0x3FB6] =	sst s8  }
0x11: {  	[smem:$0x3FB7] =	sst s9;
	s0 =	simm.s32 @!p0 $0x0  }
0x12: {  	s1 =	sld [smem:$0x3F9D];
	s0 =	simm.s32 @p0 $0x1  }
0x13: {  	[smem:$0x3FB8] =	sst s0;
	s0 =	simm.s32 @!p1 $0x0  }
0x14: {  	s2 =	sld [smem:$0x3F9C];
	s0 =	simm.s32 @p1 $0x1  }
0x15: {  	[smem:$0x3FB9] =	sst s0;
	s0 =	simm.s32 @!p2 $0x0  }
0x16: {  	s3 =	sld [smem:$0x3FDB];
	s0 =	simm.s32 @p2 $0x1  }
0x17: {  	s4 =	simm.s32 $0x1BF5;
	[smem:$0x3FBB] =	sst s0  }
0x18: {  	s0 =	sld [smem:$0x3F9E];
	_ =	swait.ge [sflag:s4], $0x0  }
0x19: {  	s7 =	sld [smem:$0x3F9F]  }
0x1a: {  	s8 =	sadd.s32 $0xFFFFE003, lr  }
0x1b: {  	s9 =	sadd.s32 $0xFFFFFEF7, lr;
	s5 =	simm.s32 $0xFFFFFFFF;
	p2 =	slt.u32 s8, $0xFFFFF086  }
0x1c: {  	p1 =	slt.u32 s9, $0xF7A;
	s5 =	simm.s32 @!p2 $0x0  }
0x1d: {  	s5 =	simm.s32 @p1 $0x1;
	p0 =	seq.s32 s7, s2  }
0x1e: {  	s7 =	smul.u32 @!p0 $0xF7A, s2;
	p2 =	seq.s32 @!p0 s5, $0x0  }
0x1f: {  	s9 =	smul.u32 $0xF7A, s1;
	s8 =	simm.s32 @!p0 $0x1BF5;
	p2 =	por !p2, p0  }
0x20: {  	[sflag:s8] =	ssyncset.s32 @!p0 $0xFFFFF086;
	s6 =	sadd.s32 @!p0 s3, s7;
	s7 =	simm.s32 @!p0 $0x108  }
0x21: {  	s3 =	sadd.s32 s3, s9;
	s6 =	sadd.s32 @!p0 $0x88, s6;
	s7 =	simm.s32 @p2 $0x1082  }
0x22: {  	[simem:s7], [sflag:s8] =	dma.local @!p0 [hbm:s6], $0xF7A  }
0x23: {  	s9 =	sor.u32 $0xD0000000, s2;
	s6 =	simm.s32 $0x108;
	_ =	swait.ge @!p0 [sflag:s8], $0x0  }
0x24: {  	s3 =	sadd.s32 $0x88, s3;
	s6 =	simm.s32 @!p1 $0x1082;
	[sflag:s4] =	ssyncset.s32 $0xFFFFF086  }
0x25: {  	[simem:s6], [sflag:s4] =	dma.local [hbm:s3], $0xF7A  }
0x26: {  	[smem:$0x3F9F] =	sst s1;
	(tag) =	ssettag s2;
	_ =	strace s9  }
0x27: {  	s1 =	sld [smem:$0x3FAF]  }
0x28: {  	s2 =	sld [smem:$0x3FB0]  }
0x29: {  	s4 =	sld [smem:$0x3FB2]  }
0x2a: {  	p0 =	seq.s32 s5, $0x0;
	s5 =	sld [smem:$0x3FB3]  }
0x2b: {  	s6 =	sld [smem:$0x3FB4]  }
0x2c: {  	s7 =	sld [smem:$0x3FB5]  }
0x2d: {  	s3 =	simm.s32 $0x108;
	s8 =	sld [smem:$0x3FB6]  }
0x2e: {  	s3 =	simm.s32 @!p0 $0x1082;
	s9 =	sld [smem:$0x3FB7]  }
0x2f: {  	lr =	sadd.s32 s0, s3;
	s0 =	sld [smem:$0x3FAE]  }
0x30: {  	s3 =	sld [smem:$0x3FB1]  }
0x31: {  	[smem:$0x3FBA] =	sst s10  }
0x32: {  	s10 =	sld [smem:$0x3FB8];
	_ =	sdelay $0x3  }
0x33: {  	p0 =	seq.s32 s10, $0x1;
	s10 =	sld [smem:$0x3FBA];
	_ =	sdelay $0x3  }
0x34: {  	[smem:$0x3FBA] =	sst s10  }
0x35: {  	s10 =	sld [smem:$0x3FB9];
	_ =	sdelay $0x3  }
0x36: {  	p1 =	seq.s32 s10, $0x1;
	s10 =	sld [smem:$0x3FBA];
	_ =	sdelay $0x3  }
0x37: {  	[smem:$0x3FBA] =	sst s10  }
0x38: {  	s10 =	sld [smem:$0x3FBB]  }
0x39: {  	_ = 	snop;
	(pc) =	sbr.ind lr, $3  }
0x3a: {  	_ = 	snop  }
0x3b: {  	_ = 	snop  }
0x3c: {  	p2 =	seq.s32 s10, $0x1;
	s10 =	sld [smem:$0x3FBA]  }
0x3d: {  	_ =	shalt  }
0x3e: {  	_ =	shalt  }
0x3f: {  	_ =	shalt  }
0x40: {  	_ =	shalt  }
0x41: {  	_ =	shalt  }
0x42: {  	_ =	shalt  }
0x43: {  	_ =	shalt  }
0x44: {  	_ =	shalt  }
0x45: {  	_ =	shalt  }
0x46: {  	_ =	shalt  }
0x47: {  	_ =	shalt  }
0x48: {  	_ =	shalt  }
0x49: {  	_ =	shalt  }
0x4a: {  	_ =	shalt  }
0x4b: {  	_ =	shalt  }
0x4c: {  	_ =	shalt  }
0x4d: {  	_ =	shalt  }
0x4e: {  	_ =	shalt  }
0x4f: {  	_ =	shalt  }
0x50: {  	_ =	shalt  }
0x51: {  	_ =	shalt  }
0x52: {  	_ =	shalt  }
0x53: {  	_ =	shalt  }
0x54: {  	_ =	shalt  }
0x55: {  	_ =	shalt  }
0x56: {  	_ =	shalt  }
0x57: {  	_ =	shalt  }
0x58: {  	_ =	shalt  }
0x59: {  	_ =	shalt  }
0x5a: {  	_ =	shalt  }
0x5b: {  	_ =	shalt  }
0x5c: {  	_ =	shalt  }
0x5d: {  	_ =	shalt  }
0x5e: {  	_ =	shalt  }
0x5f: {  	_ =	shalt  }
0x60: {  	_ =	shalt  }
0x61: {  	_ =	shalt  }
0x62: {  	_ =	shalt  }
0x63: {  	_ =	shalt  }
0x64: {  	_ =	shalt  }
0x65: {  	_ =	shalt  }
0x66: {  	_ =	shalt  }
0x67: {  	_ =	shalt  }
0x68: {  	_ =	shalt  }
0x69: {  	_ =	shalt  }
0x6a: {  	_ =	shalt  }
0x6b: {  	_ =	shalt  }
0x6c: {  	_ =	shalt  }
0x6d: {  	_ =	shalt  }
0x6e: {  	_ =	shalt  }
0x6f: {  	_ =	shalt  }
0x70: {  	_ =	shalt  }
0x71: {  	_ =	shalt  }
0x72: {  	_ =	shalt  }
0x73: {  	_ =	shalt  }
0x74: {  	_ =	shalt  }
0x75: {  	_ =	shalt  }
0x76: {  	_ =	shalt  }
0x77: {  	_ =	shalt  }
0x78: {  	_ =	shalt  }
0x79: {  	_ =	shalt  }
0x7a: {  	_ =	shalt  }
0x7b: {  	_ =	shalt  }
0x7c: {  	_ =	shalt  }
0x7d: {  	_ =	shalt  }
0x7e: {  	_ =	shalt  }
0x7f: {  	_ =	shalt  }
0x80: {  	_ =	shalt  }
0x81: {  	_ =	shalt  }
0x82: {  	_ =	shalt  }
0x83: {  	_ =	shalt  }
0x84: {  	_ =	shalt  }
0x85: {  	_ =	shalt  }
0x86: {  	_ =	shalt  }
0x87: {  	_ =	shalt  }
.Lfunc_end0:
.L_simem_size_0:
called_computation_lowered:
.L_overlay_start_0:
0x88: {  	s2 =	sld [smem:$0x3FD9]  }
0x89: {  	s3 =	sld [smem:$0x3FFE];
	_ =	sdelay $0x1  }
0x8a: {  	s1 =	srdreg.scid  }
0x8b: {  	s0 =	sand.u32 $0x1, s1  }
0x8c: {  	s17 =	sshll.u32 s0, $0xA;
	s2 =	sadd.s32 s3, s2  }
0x8d: {  	s2 =	sadd.s32 s2, s17  }
0x8e: {  	[smem:$0x3FC6] =	sst s2  }
0x8f: {  	_ = 	snop  }
0x90: {  	s2 =	sld [smem:$0x3FD0];
	(tm) =	ssettm $0x1  }
0x91: {  	s18 =	sld [smem:$0x3FFB];
	_ =	sdelay $0x3  }
0x92: {  	_ =	strace s18  }
0x93: {  	s3 =	sld [smem:$0x3FFC];
	_ =	sdelay $0x3  }
0x94: {  	_ =	strace s3  }
0x95: {  	s3 =	sld [smem:$0x3FFD];
	_ =	sdelay $0x3  }
0x96: {  	_ =	strace s3  }
0x97: {  	_ =	strace $0x8FFFFFFF  }
0x98: {  	s19 =	sld [smem:$0x3FDB];
	_ =	sdelay $0x1  }
0x99: {  	s4 =	simm.s32 $_scs_section_size  }
0x9a: {  	s5 =	simm.s32 $_size__tile_overlayer_lowered;
	s6 =	simm.s32 $_tile_overlayer_lowered  }
0x9b: {  	s22 =	simm.s32 $0x1BFF;
	s21 =	sshll.u32 s6, $0x1;
	s3 =	sadd.s32 s4, s19  }
0x9c: {  	s7 =	simm.s32 $0x0;
	s20 =	sshll.u32 s5, $0x1;
	s5 =	sadd.s32 s21, s3  }
0x9d: {  	[timem:s7], [sflag:s22] =	dma.local [hbm:s5], s20  }
0x9e: {  	_ =	swait.ge [sflag:s22], s20  }
0x9f: {  	s4 =	ssub.s32 $0x0, s20;
	[sflag:s22] =	ssyncset.done $0x0  }
0xa0: {  	[sflag:s22] =	ssyncadd.s32 s4;
	_ =	sdelay $0x1  }
0xa1: {  	s23 =	simm.s32 $0x1B8B  }
0xa2: {  	_ =	swait.ge [sflag:s23], $0x1  }
0xa3: {  	[sflag:s23] =	ssyncset.done $0x0  }
0xa4: {  	s25 =	simm.s32 $0x1B8E;
	s24 =	sld [smem:$0x3FFE];
	[sflag:s23] =	ssyncadd.s32 $0xFFFFFFFF  }
0xa5: {  	s26 =	simm.s32 $execute0_lowered;
	[smem:$0x3FD2] =	sst s25  }
0xa6: {  	s5 =	sshll.u32 s26, $0x1;
	_ =	strace $0x80000046;
	[dreg:$0x1] =	wrdreg $0xFFFFFFFF  }
0xa7: {  	s28 =	simm.s32 $_size_execute0_lowered;
	s3 =	sadd.s32 s3, s5;
	[dreg:$0x0] =	wrdreg $0x0  }
0xa8: {  	s5 =	sshll.u32 s28, $0x1;
	[dreg:$0x2] =	wrdreg s3  }
0xa9: {  	[dreg:$0x3] =	wrdreg s5  }
0xaa: {  	[dreg:$0x4] =	wrdreg $0xC0  }
0xab: {  	_ =	task [dreg:s7], $0x5FFFF  }
0xac: {  	[dreg:$0x1] =	wrdreg $0xFFFFFFFF  }
0xad: {  	[dreg:$0x0] =	wrdreg $0x60  }
0xae: {  	[dreg:$0x2] =	wrdreg s2  }
0xaf: {  	[dreg:$0x3] =	wrdreg s24  }
0xb0: {  	[dreg:$0x4] =	wrdreg $0x9  }
0xb1: {  	_ =	task.clear_ibuf [dreg:s7], $0x5FFFF;
	_ =	strace $0x90000046  }
0xb2: {  	s29 =	simm.s32 $0x9;
	_ =	strace $0x80000048  }
0xb3: {  	_ =	swait.ge [sflag:s29], $0x1  }
0xb4: {  	[sflag:s29] =	ssyncadd.s32 $0xFFFFFFFF  }
0xb5: {  	_ =	strace $0x90000048  }
0xb6: {  	_ =	sfence  }
0xb7: {  	s30 =	sld [smem:$0x0];
	_ =	sdelay $0x2  }
0xb8: {  	s31 =	sshll.u32 s1, $0xD;
	s1 =	sshrl.u32 s1, $0x2  }
0xb9: {  	s3 =	sand.u32 $0x4000, s31;
	s1 =	sadd.s32 s1, s30  }
0xba: {  	s0 =	sor.u32 s3, s0;
	s1 =	sshll.u32 s1, $0x11  }
0xbb: {  	s0 =	sor.u32 s1, s0  }
0xbc: {  	s0 =	sadd.s32 $0x8F2B, s0  }
0xbd: {  	[sflag:s0] =	ssyncadd.remote.s32 $0x1  }
0xbe: {  	_ =	sfence.sel $0xFFFF  }
0xbf: {  	[dreg:$0x0] =	wrdreg $0xFFFFFFFF;
	(pc) =	sbr.abs _section_cstart, $3  }
0xc0: {  	[dreg:$0x1] =	wrdreg $0xFFFFFFFF  }
0xc1: {  	_ =	task.clear_ibuf [dreg:s7], $0x2FFFF;
	_ =	strace $0x9FFFFFFF  }
0xc2: {  	(tm) =	ssettm $0x7FFFFFFF  }
0xc3: {  	_ =	shalt  }
tec
execute0_lowered:
.L_overlay_start_1:
0x0: {  	(tag) =	ssettag $0x1  }
0x1: {  	v0 =	vimm.f32 $1.500000000e+01;
	vm14 =	vcmask $0x300  }
0x2: {  	vm13 =	vcmask $0x704;
	v0 =	vsel vm14, $0x0, v0  }
0x3: {  	vm12 =	vcmask $0xB08;
	v0 =	vsel vm13, $0x3F800000, v0  }
0x4: {  	vm11 =	vcmask $0xF0C;
	v0 =	vsel vm12, $0x40000000, v0  }
0x5: {  	vm10 =	vcmask $0x1310;
	v0 =	vsel vm11, $0x40400000, v0  }
0x6: {  	vm9 =	vcmask $0x1714;
	v0 =	vsel vm10, $0x40800000, v0  }
0x7: {  	vm8 =	vcmask $0x1B18;
	v0 =	vsel vm9, $0x40A00000, v0  }
0x8: {  	vm7 =	vcmask $0x1F1C;
	v0 =	vsel vm8, $0x40C00000, v0  }
0x9: {  	vm6 =	vcmask $0x2320;
	v0 =	vsel vm7, $0x40E00000, v0  }
0xa: {  	vm5 =	vcmask $0x2724;
	v0 =	vsel vm6, $0x41000000, v0  }
0xb: {  	vm4 =	vcmask $0x2B28;
	v0 =	vsel vm5, $0x41100000, v0  }
0xc: {  	vm3 =	vcmask $0x2F2C;
	v0 =	vsel vm4, $0x41200000, v0  }
0xd: {  	vm2 =	vcmask $0x3330;
	v0 =	vsel vm3, $0x41300000, v0  }
0xe: {  	vm1 =	vcmask $0x3734;
	v0 =	vsel vm2, $0x41400000, v0  }
0xf: {  	vm0 =	vcmask $0x3B38;
	v1 =	vimm.f32 $3.100000000e+01;
	v0 =	vsel vm1, $0x41500000, v0  }
0x10: {  	v31 =	vimm.f32 $4.700000000e+01;
	v30 =	vsel vm14, $0x41800000, v1;
	v0 =	vsel vm0, $0x41600000, v0  }
0x11: {  	v2 =	vimm.f32 $6.300000000e+01;
	v34 =	vimm.f32 $7.900000000e+01;
	[tilespmem:$0x1FF00] =	vst v0;
	v0 =	vsel vm13, $0x41880000, v30  }
0x12: {  	v37 =	vimm.f32 $9.500000000e+01;
	v1 =	vsel vm14, $0x42000000, v31;
	v0 =	vsel vm12, $0x41900000, v0  }
0x13: {  	v38 =	vimm.f32 $1.110000000e+02;
	v1 =	vsel vm13, $0x42040000, v1;
	v0 =	vsel vm11, $0x41980000, v0  }
0x14: {  	v2 =	vsel vm14, $0x42400000, v2;
	v1 =	vsel vm12, $0x42080000, v1;
	v0 =	vsel vm10, $0x41A00000, v0  }
0x15: {  	v2 =	vsel vm13, $0x42440000, v2;
	v1 =	vsel vm11, $0x420C0000, v1;
	v0 =	vsel vm9, $0x41A80000, v0  }
0x16: {  	v2 =	vsel vm12, $0x42480000, v2;
	v1 =	vsel vm10, $0x42100000, v1;
	v0 =	vsel vm8, $0x41B00000, v0  }
0x17: {  	v2 =	vsel vm11, $0x424C0000, v2;
	v1 =	vsel vm9, $0x42140000, v1;
	v0 =	vsel vm7, $0x41B80000, v0  }
0x18: {  	v2 =	vsel vm10, $0x42500000, v2;
	v1 =	vsel vm8, $0x42180000, v1;
	v0 =	vsel vm6, $0x41C00000, v0  }
0x19: {  	v2 =	vsel vm9, $0x42540000, v2;
	v1 =	vsel vm7, $0x421C0000, v1;
	v0 =	vsel vm5, $0x41C80000, v0  }
0x1a: {  	v2 =	vsel vm8, $0x42580000, v2;
	v1 =	vsel vm6, $0x42200000, v1;
	v0 =	vsel vm4, $0x41D00000, v0  }
0x1b: {  	v2 =	vsel vm7, $0x425C0000, v2;
	v1 =	vsel vm5, $0x42240000, v1;
	v0 =	vsel vm3, $0x41D80000, v0  }
0x1c: {  	v2 =	vsel vm6, $0x42600000, v2;
	v1 =	vsel vm4, $0x42280000, v1;
	v0 =	vsel vm2, $0x41E00000, v0  }
0x1d: {  	v2 =	vsel vm5, $0x42640000, v2;
	v1 =	vsel vm3, $0x422C0000, v1;
	v0 =	vsel vm1, $0x41E80000, v0  }
0x1e: {  	v2 =	vsel vm4, $0x42680000, v2;
	v32 =	vsel vm2, $0x42300000, v1;
	v0 =	vsel vm0, $0x41F00000, v0  }
0x1f: {  	v41 =	vimm.f32 $1.270000000e+02;
	v2 =	vsel vm3, $0x426C0000, v2;
	[tilespmem:$0x1FF10] =	vst v0;
	v0 =	vsel vm1, $0x42340000, v32  }
0x20: {  	v36 =	vsel vm14, $0x42800000, v34;
	v33 =	vsel vm2, $0x42700000, v2;
	v0 =	vsel vm0, $0x42380000, v0  }
0x21: {  	v44 =	vimm.f32 $1.430000000e+02;
	v1 =	vsel vm1, $0x42740000, v33;
	[tilespmem:$0x1FF20] =	vst v0;
	v0 =	vsel vm13, $0x42820000, v36  }
0x22: {  	v35 =	vsel vm0, $0x42780000, v1;
	v1 =	vsel vm14, $0x42A00000, v37;
	v0 =	vsel vm12, $0x42840000, v0  }
0x23: {  	v45 =	vimm.f32 $1.590000000e+02;
	v1 =	vsel vm13, $0x42A20000, v1;
	v0 =	vsel vm11, $0x42860000, v0  }
0x24: {  	v2 =	vsel vm14, $0x42C00000, v38;
	v1 =	vsel vm12, $0x42A40000, v1;
	v0 =	vsel vm10, $0x42880000, v0  }
0x25: {  	v2 =	vsel vm13, $0x42C20000, v2;
	v1 =	vsel vm11, $0x42A60000, v1;
	v0 =	vsel vm9, $0x428A0000, v0  }
0x26: {  	v2 =	vsel vm12, $0x42C40000, v2;
	v1 =	vsel vm10, $0x42A80000, v1;
	v0 =	vsel vm8, $0x428C0000, v0  }
0x27: {  	v2 =	vsel vm11, $0x42C60000, v2;
	v1 =	vsel vm9, $0x42AA0000, v1;
	v0 =	vsel vm7, $0x428E0000, v0  }
0x28: {  	v2 =	vsel vm10, $0x42C80000, v2;
	v1 =	vsel vm8, $0x42AC0000, v1;
	v0 =	vsel vm6, $0x42900000, v0  }
0x29: {  	v2 =	vsel vm9, $0x42CA0000, v2;
	v1 =	vsel vm7, $0x42AE0000, v1;
	v0 =	vsel vm5, $0x42920000, v0  }
0x2a: {  	v2 =	vsel vm8, $0x42CC0000, v2;
	v1 =	vsel vm6, $0x42B00000, v1;
	v0 =	vsel vm4, $0x42940000, v0  }
0x2b: {  	v2 =	vsel vm7, $0x42CE0000, v2;
	v1 =	vsel vm5, $0x42B20000, v1;
	v0 =	vsel vm3, $0x42960000, v0  }
0x2c: {  	v2 =	vsel vm6, $0x42D00000, v2;
	v1 =	vsel vm4, $0x42B40000, v1;
	v0 =	vsel vm2, $0x42980000, v0  }
0x2d: {  	v2 =	vsel vm5, $0x42D20000, v2;
	v1 =	vsel vm3, $0x42B60000, v1;
	v0 =	vsel vm1, $0x429A0000, v0  }
0x2e: {  	v2 =	vsel vm4, $0x42D40000, v2;
	v39 =	vsel vm2, $0x42B80000, v1;
	v0 =	vsel vm0, $0x429C0000, v0  }
0x2f: {  	v48 =	vimm.f32 $1.750000000e+02;
	v2 =	vsel vm3, $0x42D60000, v2;
	[tilespmem:$0x1FF40] =	vst v0;
	v0 =	vsel vm1, $0x42BA0000, v39  }
0x30: {  	v43 =	vsel vm14, $0x42E00000, v41;
	v40 =	vsel vm2, $0x42D80000, v2;
	v0 =	vsel vm0, $0x42BC0000, v0  }
0x31: {  	v51 =	vimm.f32 $1.910000000e+02;
	v1 =	vsel vm1, $0x42DA0000, v40;
	[tilespmem:$0x1FF50] =	vst v0;
	v0 =	vsel vm13, $0x42E20000, v43  }
0x32: {  	v42 =	vsel vm0, $0x42DC0000, v1;
	v1 =	vsel vm14, $0x43000000, v44;
	v0 =	vsel vm12, $0x42E40000, v0  }
0x33: {  	v52 =	vimm.f32 $2.070000000e+02;
	v1 =	vsel vm13, $0x43010000, v1;
	v0 =	vsel vm11, $0x42E60000, v0  }
0x34: {  	v2 =	vsel vm14, $0x43100000, v45;
	v1 =	vsel vm12, $0x43020000, v1;
	v0 =	vsel vm10, $0x42E80000, v0  }
0x35: {  	v2 =	vsel vm13, $0x43110000, v2;
	v1 =	vsel vm11, $0x43030000, v1;
	v0 =	vsel vm9, $0x42EA0000, v0  }
0x36: {  	v2 =	vsel vm12, $0x43120000, v2;
	v1 =	vsel vm10, $0x43040000, v1;
	v0 =	vsel vm8, $0x42EC0000, v0  }
0x37: {  	v2 =	vsel vm11, $0x43130000, v2;
	v1 =	vsel vm9, $0x43050000, v1;
	v0 =	vsel vm7, $0x42EE0000, v0  }
0x38: {  	v2 =	vsel vm10, $0x43140000, v2;
	v1 =	vsel vm8, $0x43060000, v1;
	v0 =	vsel vm6, $0x42F00000, v0  }
0x39: {  	v2 =	vsel vm9, $0x43150000, v2;
	v1 =	vsel vm7, $0x43070000, v1;
	v0 =	vsel vm5, $0x42F20000, v0  }
0x3a: {  	v2 =	vsel vm8, $0x43160000, v2;
	v1 =	vsel vm6, $0x43080000, v1;
	v0 =	vsel vm4, $0x42F40000, v0  }
0x3b: {  	v2 =	vsel vm7, $0x43170000, v2;
	v1 =	vsel vm5, $0x43090000, v1;
	v0 =	vsel vm3, $0x42F60000, v0  }
0x3c: {  	v2 =	vsel vm6, $0x43180000, v2;
	v1 =	vsel vm4, $0x430A0000, v1;
	v0 =	vsel vm2, $0x42F80000, v0  }
0x3d: {  	v2 =	vsel vm5, $0x43190000, v2;
	v1 =	vsel vm3, $0x430B0000, v1;
	v0 =	vsel vm1, $0x42FA0000, v0  }
0x3e: {  	v2 =	vsel vm4, $0x431A0000, v2;
	v46 =	vsel vm2, $0x430C0000, v1;
	v0 =	vsel vm0, $0x42FC0000, v0  }
0x3f: {  	v55 =	vimm.f32 $2.230000000e+02;
	v2 =	vsel vm3, $0x431B0000, v2;
	[tilespmem:$0x1FF70] =	vst v0;
	v0 =	vsel vm1, $0x430D0000, v46  }
0x40: {  	v50 =	vsel vm14, $0x43200000, v48;
	v47 =	vsel vm2, $0x431C0000, v2;
	v0 =	vsel vm0, $0x430E0000, v0  }
0x41: {  	v58 =	vimm.f32 $2.390000000e+02;
	v1 =	vsel vm1, $0x431D0000, v47;
	[tilespmem:$0x1FF80] =	vst v0;
	v0 =	vsel vm13, $0x43210000, v50  }
0x42: {  	v49 =	vsel vm0, $0x431E0000, v1;
	v1 =	vsel vm14, $0x43300000, v51;
	v0 =	vsel vm12, $0x43220000, v0  }
0x43: {  	v59 =	vimm.f32 $2.550000000e+02;
	v1 =	vsel vm13, $0x43310000, v1;
	v0 =	vsel vm11, $0x43230000, v0  }
0x44: {  	v2 =	vsel vm14, $0x43400000, v52;
	v1 =	vsel vm12, $0x43320000, v1;
	v0 =	vsel vm10, $0x43240000, v0  }
0x45: {  	v2 =	vsel vm13, $0x43410000, v2;
	v1 =	vsel vm11, $0x43330000, v1;
	v0 =	vsel vm9, $0x43250000, v0  }
0x46: {  	v2 =	vsel vm12, $0x43420000, v2;
	v1 =	vsel vm10, $0x43340000, v1;
	v0 =	vsel vm8, $0x43260000, v0  }
0x47: {  	v2 =	vsel vm11, $0x43430000, v2;
	v1 =	vsel vm9, $0x43350000, v1;
	v0 =	vsel vm7, $0x43270000, v0  }
0x48: {  	v2 =	vsel vm10, $0x43440000, v2;
	v1 =	vsel vm8, $0x43360000, v1;
	v0 =	vsel vm6, $0x43280000, v0  }
0x49: {  	v2 =	vsel vm9, $0x43450000, v2;
	v1 =	vsel vm7, $0x43370000, v1;
	v0 =	vsel vm5, $0x43290000, v0  }
0x4a: {  	v2 =	vsel vm8, $0x43460000, v2;
	v1 =	vsel vm6, $0x43380000, v1;
	v0 =	vsel vm4, $0x432A0000, v0  }
0x4b: {  	v2 =	vsel vm7, $0x43470000, v2;
	v1 =	vsel vm5, $0x43390000, v1;
	v0 =	vsel vm3, $0x432B0000, v0  }
0x4c: {  	v2 =	vsel vm6, $0x43480000, v2;
	v1 =	vsel vm4, $0x433A0000, v1;
	v0 =	vsel vm2, $0x432C0000, v0  }
0x4d: {  	v2 =	vsel vm5, $0x43490000, v2;
	v1 =	vsel vm3, $0x433B0000, v1;
	v0 =	vsel vm1, $0x432D0000, v0  }
0x4e: {  	v2 =	vsel vm4, $0x434A0000, v2;
	v53 =	vsel vm2, $0x433C0000, v1;
	v0 =	vsel vm0, $0x432E0000, v0  }
0x4f: {  	v57 =	vsel vm14, $0x43500000, v55;
	v2 =	vsel vm3, $0x434B0000, v2;
	[tilespmem:$0x1FFA0] =	vst v0;
	v0 =	vsel vm1, $0x433D0000, v53  }
0x50: {  	v54 =	vsel vm2, $0x434C0000, v2;
	v2 =	vsel vm14, $0x43700000, v59;
	v0 =	vsel vm0, $0x433E0000, v0  }
0x51: {  	v2 =	vsel vm13, $0x43710000, v2;
	v1 =	vsel vm1, $0x434D0000, v54;
	[tilespmem:$0x1FFB0] =	vst v0;
	v0 =	vsel vm13, $0x43510000, v57  }
0x52: {  	v56 =	vsel vm0, $0x434E0000, v1;
	v1 =	vsel vm14, $0x43600000, v58;
	v0 =	vsel vm12, $0x43520000, v0  }
0x53: {  	s0 =	rddreg [dreg:$0x0];
	s1 =	srdreg.scid;
	v2 =	vsel vm12, $0x43720000, v2;
	v1 =	vsel vm13, $0x43610000, v1;
	v0 =	vsel vm11, $0x43530000, v0  }
0x54: {  	s3 =	stileid.u32;
	s2 =	rddreg [dreg:$0x1];
	s4 =	simm.s32 $0x0;
	v2 =	vsel vm11, $0x43730000, v2;
	v1 =	vsel vm12, $0x43620000, v1;
	v0 =	vsel vm10, $0x43540000, v0  }
0x55: {  	s7 =	simm.s32 $0x2;
	s8 =	simm.s32 $0x80;
	s10 =	simm.s32 $0x890;
	v2 =	vsel vm10, $0x43740000, v2;
	v1 =	vsel vm11, $0x43630000, v1;
	v0 =	vsel vm9, $0x43550000, v0  }
0x56: {  	s24 =	simm.s32 $0x2490;
	s28 =	simm.s32 $0x510;
	s29 =	simm.s32 $0x2C90;
	v2 =	vsel vm9, $0x43750000, v2;
	v1 =	vsel vm10, $0x43640000, v1;
	v0 =	vsel vm8, $0x43560000, v0  }
0x57: {  	s30 =	simm.s32 $0x590;
	s31 =	simm.s32 $0x3090;
	s6 =	simm.s32 $0x3890;
	v2 =	vsel vm8, $0x43760000, v2;
	v1 =	vsel vm9, $0x43650000, v1;
	v0 =	vsel vm7, $0x43570000, v0  }
0x58: {  	s9 =	simm.s32 $0x710;
	s11 =	simm.s32 $0x3C90;
	s12 =	simm.s32 $0x790;
	v2 =	vsel vm7, $0x43770000, v2;
	v1 =	vsel vm8, $0x43660000, v1;
	v0 =	vsel vm6, $0x43580000, v0  }
0x59: {  	s13 =	simm.s32 $0x4090;
	s1 =	sand.u32 $0x1, s1;
	s3 =	sshll.u32 s3, $0x1;
	v2 =	vsel vm6, $0x43780000, v2;
	v1 =	vsel vm7, $0x43670000, v1;
	v0 =	vsel vm5, $0x43590000, v0  }
0x5a: {  	s14 =	simm.s32 $0x810;
	s15 =	simm.s32 $0x1;
	s3 =	sor.u32 s1, s3;
	v2 =	vsel vm5, $0x43790000, v2;
	v1 =	vsel vm6, $0x43680000, v1;
	v0 =	vsel vm4, $0x435A0000, v0  }
0x5b: {  	s17 =	simm.s32 $0x0;
	s1 =	ssub.s32 $0x2, s1;
	s25 =	smul.u32 $0x12, s3;
	[tilespmem:$0x1FF30] =	vst v35;
	v2 =	vsel vm4, $0x437A0000, v2;
	v1 =	vsel vm5, $0x43690000, v1;
	v0 =	vsel vm3, $0x435B0000, v0  }
0x5c: {  	[smem:$0x7FF] =	sst s4;
	s3 =	sshll.u32 s3, $0x10;
	s5 =	sshrl.u32 s1, $0x1;
	[tilespmem:$0x1FF60] =	vst v42;
	v2 =	vsel vm3, $0x437B0000, v2;
	v1 =	vsel vm4, $0x436A0000, v1;
	v0 =	vsel vm2, $0x435C0000, v0  }
0x5d: {  	s1 =	ssub.s32 s1, s5;
	s4 =	sadd.s32 s25, s2;
	s25 =	simm.s32 $0x490;
	[tilespmem:$0x1FF90] =	vst v49;
	v61 =	vsel vm2, $0x437C0000, v2;
	v1 =	vsel vm3, $0x436B0000, v1;
	v0 =	vsel vm1, $0x435D0000, v0  }
0x5e: {  	s2 =	sadd.s32 s3, s2;
	s3 =	simm.s32 $0x4490;
	s26 =	sadd.s32 $0x400, s4;
	[tilespmem:$0x1FFC0] =	vst v56;
	v60 =	vsel vm2, $0x436C0000, v1;
	v1 =	vsel vm1, $0x437D0000, v61;
	v0 =	vsel vm0, $0x435E0000, v0  }
0x5f: {  	s1 =	smax.u32 s1, $0x1;
	s5 =	sadd.s32 $0x800, s2;
	v63 =	vsel vm0, $0x437E0000, v1;
	_ =	strace $0x80000047;
	[tilespmem:$0x1FFD0] =	vst v0;
	v0 =	vsel vm1, $0x436D0000, v60  }
0x60: {  	v62 =	vlaneseq.u32;
	s2 =	simm.s32 $0x610;
	s4 =	simm.s32 $0x690;
	[dreg:$0x3] =	wrdreg s26;
	[tilespmem:$0x1FFF0] =	vst v63;
	v0 =	vsel vm0, $0x436E0000, v0  }
0x61: {  	v16 =	vor.u32 $0x40000, v62;
	[dreg:$0x4] =	wrdreg s1;
	s26 =	simm.s32 $0x2890;
	s1 =	simm.s32 $0x3490;
	[tilespmem:$0x1FFE0] =	vst v0  }
.LBB2_1:
0x62: {  	[dreg:$0x5] =	wrdreg s17  }
0x63: {  	s16 =	simm.s32 $0x0;
	s23 =	rddreg [dreg:$0x3]  }
0x64: {  	[tilespmem:s16], [sflag:$0x2] =	stream.linear.gather [hbm4b:s23+s16], $0x90, $0x38;
	[tilespmem:$0x4890] =	vst v63  }
0x65: {  	_ =	swait.ge [sflag:s7], $0x90  }
0x66: {  	[sflag:s7] =	ssyncset.done $0x0  }
0x67: {  	[sflag:s7] =	ssyncadd.s32 $0xFFFFFF70  }
0x68: {  	v0 =	vld [tilespmem:$0x80];
	_ =	sdelay $0x4  }
0x69: {  	(erf) = vrcp.f32 v0;
	_ =	sdelay $0x2  }
0x6a: {  	v61 =	vld [tilespmem:$0x0]  }
0x6b: {  	v1 =	vld [tilespmem:$0x10]  }
0x6c: {  	v4 =	vld [tilespmem:$0x40]  }
0x6d: {  	v6 =	vld [tilespmem:$0x60]  }
0x6e: {  	v7 =	vld [tilespmem:$0x70]  }
0x6f: {  	v11 =	vld [tilespmem:$0x1FF10]  }
0x70: {  	v8 =	vpop (erf)  }
0x71: {  	v14 =	vld [tilespmem:$0x1FF20];
	v1 =	vmul.f32 v8, v1  }
0x72: {  	v62 =	vmul.f32 v8, v4;
	v63 =	vmul.f32 v8, v6  }
0x73: {  	v26 =	vld [tilespmem:$0x1FF30];
	v0 =	vmul.f32 v8, v61;
	v7 =	vmul.f32 v8, v7;
	[tilespmem:$0x1FBD0] =	vst v1  }
0x74: {  	[tilespmem:$0x1FBE0] =	vst v62;
	v12 =	vmul.f32 v11, v63  }
0x75: {  	v29 =	vld [tilespmem:$0x1FF40];
	[tilespmem:$0x1FBF0] =	vst v7;
	v13 =	vmul.f32 v11, v0  }
0x76: {  	v24 =	vmul.f32 v14, v63;
	[tilespmem:$0x1FC30] =	vst v12  }
0x77: {  	v32 =	vld [tilespmem:$0x1FF50];
	v25 =	vmul.f32 v14, v0;
	[tilespmem:$0x1FC40] =	vst v13  }
0x78: {  	v35 =	vld [tilespmem:$0x1FF60];
	v27 =	vmul.f32 v26, v63;
	[tilespmem:$0x1FC60] =	vst v24  }
0x79: {  	v38 =	vld [tilespmem:$0x1FF70];
	v28 =	vmul.f32 v26, v0;
	[tilespmem:$0x1FC70] =	vst v25  }
0x7a: {  	v41 =	vld [tilespmem:$0x1FF80];
	v30 =	vmul.f32 v29, v63;
	[tilespmem:$0x1FC90] =	vst v27  }
0x7b: {  	v2 =	vld [tilespmem:$0x20];
	v31 =	vmul.f32 v29, v0;
	[tilespmem:$0x1FCA0] =	vst v28  }
0x7c: {  	v5 =	vld [tilespmem:$0x50];
	v33 =	vmul.f32 v32, v63;
	[tilespmem:$0x1FCC0] =	vst v30  }
0x7d: {  	v3 =	vld [tilespmem:$0x30];
	v34 =	vmul.f32 v32, v0;
	[tilespmem:$0x1FCD0] =	vst v31  }
0x7e: {  	v36 =	vmul.f32 v35, v63;
	[tilespmem:$0x1FCF0] =	vst v33  }
0x7f: {  	v44 =	vld [tilespmem:$0x1FF90];
	v37 =	vmul.f32 v35, v0;
	[tilespmem:$0x1FD00] =	vst v34  }
0x80: {  	v18 =	vmul.f32 v8, v2;
	v39 =	vmul.f32 v38, v63;
	[tilespmem:$0x1FD20] =	vst v36  }
0x81: {  	v47 =	vld [tilespmem:$0x1FFA0];
	v20 =	vmul.f32 v8, v5;
	v40 =	vmul.f32 v38, v0;
	[tilespmem:$0x1FD30] =	vst v37  }
0x82: {  	v1 =	vmul.f32 v8, v3;
	v8 =	vld [tilespmem:$0x1FF00];
	v42 =	vmul.f32 v41, v63;
	[tilespmem:$0x1FD50] =	vst v39  }
0x83: {  	v43 =	vmul.f32 v41, v0;
	[tilespmem:$0x1FD60] =	vst v40  }
0x84: {  	v45 =	vmul.f32 v44, v63;
	[tilespmem:$0x1FD80] =	vst v42  }
0x85: {  	v50 =	vld [tilespmem:$0x1FFB0];
	v46 =	vmul.f32 v44, v0;
	[tilespmem:$0x1FD90] =	vst v43  }
0x86: {  	v48 =	vmul.f32 v47, v63;
	[tilespmem:$0x1FDB0] =	vst v45  }
0x87: {  	[tilespmem:$0x1FDC0] =	vst v46;
	v2 =	vmul.f32 v8, v1  }
0x88: {  	v49 =	vmul.f32 v47, v0;
	[tilespmem:$0x1FDE0] =	vst v48  }
0x89: {  	v53 =	vld [tilespmem:$0x1FFC0];
	[tilespmem:$0x1FC20] =	vst v2;
	v2 =	vmul.f32 v11, v1  }
0x8a: {  	v51 =	vmul.f32 v50, v63;
	[tilespmem:$0x1FDF0] =	vst v49  }
0x8b: {  	[tilespmem:$0x1FC50] =	vst v2;
	v2 =	vmul.f32 v14, v1  }
0x8c: {  	v52 =	vmul.f32 v50, v0;
	[tilespmem:$0x1FE10] =	vst v51  }
0x8d: {  	v56 =	vld [tilespmem:$0x1FFD0];
	[tilespmem:$0x1FC80] =	vst v2;
	v2 =	vmul.f32 v26, v1  }
0x8e: {  	v54 =	vmul.f32 v53, v63;
	[tilespmem:$0x1FE20] =	vst v52  }
0x8f: {  	[tilespmem:$0x1FCB0] =	vst v2;
	v2 =	vmul.f32 v29, v1  }
0x90: {  	v55 =	vmul.f32 v53, v0;
	[tilespmem:$0x1FE40] =	vst v54  }
0x91: {  	v59 =	vld [tilespmem:$0x1FFE0];
	[tilespmem:$0x1FCE0] =	vst v2;
	v2 =	vmul.f32 v32, v1  }
0x92: {  	v57 =	vmul.f32 v56, v63;
	[tilespmem:$0x1FE50] =	vst v55  }
0x93: {  	[tilespmem:$0x1FD10] =	vst v2;
	v2 =	vmul.f32 v35, v1  }
0x94: {  	v58 =	vmul.f32 v56, v0;
	[tilespmem:$0x1FE70] =	vst v57  }
0x95: {  	[tilespmem:$0x1FD40] =	vst v2;
	v2 =	vmul.f32 v38, v1  }
0x96: {  	v60 =	vmul.f32 v59, v63;
	[tilespmem:$0x1FE80] =	vst v58  }
0x97: {  	[tilespmem:$0x1FD70] =	vst v2;
	v2 =	vmul.f32 v41, v1  }
0x98: {  	v61 =	vmul.f32 v59, v0;
	[tilespmem:$0x1FEA0] =	vst v60  }
0x99: {  	v62 =	vld [tilespmem:$0x1FFF0];
	[tilespmem:$0x1FDA0] =	vst v2;
	v2 =	vmul.f32 v44, v1  }
0x9a: {  	[tilespmem:$0x1FEB0] =	vst v61;
	v9 =	vmul.f32 v8, v63  }
0x9b: {  	[tilespmem:$0x1FDD0] =	vst v2;
	v2 =	vmul.f32 v47, v1  }
0x9c: {  	v10 =	vmul.f32 v8, v0;
	[tilespmem:$0x1FC00] =	vst v9  }
0x9d: {  	[tilespmem:$0x1FE00] =	vst v2;
	v2 =	vmul.f32 v50, v1  }
0x9e: {  	v3 =	vmul.f32 v62, v63;
	[tilespmem:$0x1FC10] =	vst v10  }
0x9f: {  	[tilespmem:$0x1FE30] =	vst v2;
	v2 =	vmul.f32 v53, v1  }
0xa0: {  	v0 =	vmul.f32 v62, v0;
	[tilespmem:$0x1FED0] =	vst v3  }
0xa1: {  	[tilespmem:$0x1FE60] =	vst v2;
	v2 =	vmul.f32 v56, v1  }
0xa2: {  	v63 =	vmul.f32 v62, v1;
	[tilespmem:$0x1FEE0] =	vst v0  }
0xa3: {  	[tilespmem:$0x1FE90] =	vst v2;
	v2 =	vmul.f32 v59, v1  }
0xa4: {  	[tilespmem:$0x1FEF0] =	vst v63  }
0xa5: {  	s17 =	simm.s32 $0x0;
	s16 =	simm.s32 $0x0;
	[tilespmem:$0x1FEC0] =	vst v2  }
.LBB2_2:
0xa6: {  	v0 =	vmov s16;
	v1 =	vld [tilespmem:$0x1FBF0]  }
0xa7: {  	v0 =	vcvt.s32.f32 v0  }
0xa8: {  	v2 =	vld [tilespmem:$0x1FC00]  }
0xa9: {  	v0 =	vbroadcast v0, $0x0;
	_ =	sdelay $0x1  }
0xaa: {  	v1 =	vmul.f32 v0, v1;
	_ =	sdelay $0x1  }
0xab: {  	v6 =	vadd.f32 v1, v2;
	v2 =	vld [tilespmem:$0x1FED0];
	_ =	sdelay $0x4  }
0xac: {  	v7 =	vadd.f32 v1, v2;
	v2 =	vld [tilespmem:$0x1FC30];
	_ =	sdelay $0x4  }
0xad: {  	v8 =	vadd.f32 v1, v2;
	v2 =	vld [tilespmem:$0x1FC60];
	_ =	sdelay $0x4  }
0xae: {  	v9 =	vadd.f32 v1, v2;
	v2 =	vld [tilespmem:$0x1FC90];
	_ =	sdelay $0x4  }
0xaf: {  	v10 =	vadd.f32 v1, v2;
	v2 =	vld [tilespmem:$0x1FCC0];
	_ =	sdelay $0x4  }
0xb0: {  	v11 =	vadd.f32 v1, v2;
	v2 =	vld [tilespmem:$0x1FCF0];
	_ =	sdelay $0x4  }
0xb1: {  	v12 =	vadd.f32 v1, v2;
	v2 =	vld [tilespmem:$0x1FD20];
	_ =	sdelay $0x4  }
0xb2: {  	v13 =	vadd.f32 v1, v2;
	v2 =	vld [tilespmem:$0x1FD50];
	_ =	sdelay $0x4  }
0xb3: {  	v14 =	vadd.f32 v1, v2;
	v2 =	vld [tilespmem:$0x1FD80];
	_ =	sdelay $0x4  }
0xb4: {  	v48 =	vadd.f32 v1, v2;
	v2 =	vld [tilespmem:$0x1FDB0];
	_ =	sdelay $0x4  }
0xb5: {  	v15 =	vadd.f32 v1, v2;
	v2 =	vld [tilespmem:$0x1FDE0];
	_ =	sdelay $0x4  }
0xb6: {  	v17 =	vadd.f32 v1, v2;
	v2 =	vld [tilespmem:$0x1FE10];
	_ =	sdelay $0x4  }
0xb7: {  	v19 =	vadd.f32 v1, v2;
	v2 =	vld [tilespmem:$0x1FE40];
	_ =	sdelay $0x4  }
0xb8: {  	v21 =	vadd.f32 v1, v2;
	v2 =	vld [tilespmem:$0x1FE70];
	_ =	sdelay $0x4  }
0xb9: {  	v22 =	vadd.f32 v1, v2;
	v2 =	vld [tilespmem:$0x1FBD0];
	_ =	sdelay $0x4  }
0xba: {  	v23 =	vmul.f32 v0, v2;
	v2 =	vld [tilespmem:$0x1FBE0];
	_ =	sdelay $0x4  }
0xbb: {  	v0 =	vmul.f32 v0, v2;
	v2 =	vld [tilespmem:$0x1FEA0];
	_ =	sdelay $0x4  }
0xbc: {  	v1 =	vadd.f32 v1, v2;
	v2 =	vld [tilespmem:$0x1FEE0];
	_ =	sdelay $0x4  }
0xbd: {  	v24 =	vadd.f32 v23, v2;
	v2 =	vld [tilespmem:$0x1FEF0];
	_ =	sdelay $0x4  }
0xbe: {  	v25 =	vadd.f32 v0, v2;
	v2 =	vld [tilespmem:$0x1FC10];
	_ =	sdelay $0x2  }
0xbf: {  	v7 =	vadd.f32 $1.000000000e+00, v7;
	_ =	sdelay $0x1  }
0xc0: {  	(erf) = vrcp.f32 v7;
	v56 =	vadd.f32 $1.000000000e+00, v21;
	v21 =	vadd.f32 v23, v2;
	v2 =	vld [tilespmem:$0x1FC20];
	_ =	sdelay $0x2  }
0xc1: {  	v55 =	vadd.f32 $1.000000000e+00, v15  }
0xc2: {  	v15 =	vadd.f32 $1.000000000e+00, v17;
	v17 =	vadd.f32 $1.000000000e+00, v19  }
0xc3: {  	v19 =	vadd.f32 $1.000000000e+00, v22;
	v22 =	vadd.f32 v0, v2;
	v2 =	vld [tilespmem:$0x1FC40]  }
0xc4: {  	v6 =	vadd.f32 $1.000000000e+00, v6  }
0xc5: {  	v8 =	vadd.f32 $1.000000000e+00, v8;
	v9 =	vadd.f32 $1.000000000e+00, v9  }
0xc6: {  	(erf) = vrcp.f32 v6;
	v49 =	vadd.f32 v24, v18;
	v24 =	vadd.f32 v25, v20  }
0xc7: {  	(erf) = vrcp.f32 v8;
	v52 =	vpop (erf)  }
0xc8: {  	(erf) = vrcp.f32 v9;
	v9 =	vmul.f32 v52, v24;
	v24 =	vadd.f32 v23, v2;
	v2 =	vld [tilespmem:$0x1FC50];
	_ =	sdelay $0x4  }
0xc9: {  	v25 =	vadd.f32 v0, v2;
	v2 =	vld [tilespmem:$0x1FC70];
	_ =	sdelay $0x4  }
0xca: {  	v26 =	vadd.f32 v23, v2;
	v2 =	vld [tilespmem:$0x1FC80];
	_ =	sdelay $0x4  }
0xcb: {  	v27 =	vadd.f32 v0, v2;
	v2 =	vld [tilespmem:$0x1FCA0];
	_ =	sdelay $0x4  }
0xcc: {  	v28 =	vadd.f32 v23, v2;
	v2 =	vld [tilespmem:$0x1FCB0];
	_ =	sdelay $0x4  }
0xcd: {  	v57 =	vadd.f32 v0, v2;
	v2 =	vld [tilespmem:$0x1FCD0];
	_ =	sdelay $0x4  }
0xce: {  	v29 =	vadd.f32 v23, v2;
	v2 =	vld [tilespmem:$0x1FCE0];
	_ =	sdelay $0x4  }
0xcf: {  	v31 =	vadd.f32 v0, v2;
	v2 =	vld [tilespmem:$0x1FD00];
	_ =	sdelay $0x4  }
0xd0: {  	v32 =	vadd.f32 v23, v2;
	v2 =	vld [tilespmem:$0x1FD10];
	_ =	sdelay $0x4  }
0xd1: {  	v33 =	vadd.f32 v0, v2;
	v2 =	vld [tilespmem:$0x1FD30];
	_ =	sdelay $0x4  }
0xd2: {  	v34 =	vadd.f32 v23, v2;
	v2 =	vld [tilespmem:$0x1FD40];
	_ =	sdelay $0x4  }
0xd3: {  	v58 =	vadd.f32 v0, v2;
	v2 =	vld [tilespmem:$0x1FD60];
	_ =	sdelay $0x4  }
0xd4: {  	v35 =	vadd.f32 v23, v2;
	v2 =	vld [tilespmem:$0x1FD70];
	_ =	sdelay $0x4  }
0xd5: {  	v59 =	vadd.f32 v0, v2;
	v2 =	vld [tilespmem:$0x1FD90];
	_ =	sdelay $0x4  }
0xd6: {  	v10 =	vadd.f32 $1.000000000e+00, v10;
	v36 =	vadd.f32 v23, v2;
	v2 =	vld [tilespmem:$0x1FDA0]  }
0xd7: {  	v50 =	vadd.f32 $1.000000000e+00, v11  }
0xd8: {  	(erf) = vrcp.f32 v10;
	v51 =	vadd.f32 $1.000000000e+00, v12  }
0xd9: {  	(erf) = vrcp.f32 v50;
	v53 =	vadd.f32 $1.000000000e+00, v13  }
0xda: {  	(erf) = vrcp.f32 v51;
	v54 =	vadd.f32 $1.000000000e+00, v14  }
0xdb: {  	(erf) = vrcp.f32 v53;
	v7 =	vadd.f32 $1.000000000e+00, v48;
	v60 =	vadd.f32 v0, v2;
	v2 =	vld [tilespmem:$0x1FDC0]  }
0xdc: {  	(erf) = vrcp.f32 v54  }
0xdd: {  	(erf) = vrcp.f32 v7  }
0xde: {  	(erf) = vrcp.f32 v55  }
0xdf: {  	(erf) = vrcp.f32 v15  }
0xe0: {  	v41 =	vpop (erf);
	(erf) = vrcp.f32 v17;
	v37 =	vadd.f32 v23, v2;
	v2 =	vld [tilespmem:$0x1FDD0]  }
0xe1: {  	v43 =	vpop (erf);
	(erf) = vrcp.f32 v56;
	v1 =	vadd.f32 $1.000000000e+00, v1  }
0xe2: {  	(erf) = vrcp.f32 v19;
	v6 =	vmul.f32 v52, v49  }
0xe3: {  	v44 =	vpop (erf);
	(erf) = vrcp.f32 v1;
	v1 =	vadd.f32 v22, v20  }
0xe4: {  	v6 =	vtrunc.f32 v6  }
0xe5: {  	v9 =	vtrunc.f32 v9;
	v1 =	vmul.f32 v41, v1;
	v61 =	vadd.f32 v0, v2;
	v2 =	vld [tilespmem:$0x1FDF0]  }
0xe6: {  	v6 =	vcvt.f32.s32 v6;
	v9 =	vcvt.f32.s32 v9;
	v19 =	vadd.f32 v21, v18  }
0xe7: {  	v1 =	vtrunc.f32 v1;
	v21 =	vadd.f32 v24, v18;
	v22 =	vadd.f32 v25, v20  }
0xe8: {  	v19 =	vmul.f32 v41, v19;
	v1 =	vcvt.f32.s32 v1;
	v24 =	vadd.f32 v26, v18  }
0xe9: {  	v21 =	vmul.f32 v43, v21;
	v22 =	vmul.f32 v43, v22  }
0xea: {  	v24 =	vmul.f32 v44, v24;
	v25 =	vadd.f32 v27, v20;
	v38 =	vadd.f32 v23, v2;
	v2 =	vld [tilespmem:$0x1FE00]  }
0xeb: {  	v43 =	vtrunc.f32 v19;
	v26 =	vadd.f32 v28, v18;
	v8 =	vadd.f32 v57, v20  }
0xec: {  	v46 =	vpop (erf);
	v24 =	vtrunc.f32 v24;
	v25 =	vmul.f32 v44, v25;
	v27 =	vadd.f32 v29, v18  }
0xed: {  	v49 =	vpop (erf);
	v26 =	vmul.f32 v46, v26;
	v8 =	vmul.f32 v46, v8  }
0xee: {  	v27 =	vmul.f32 v49, v27;
	v28 =	vadd.f32 v31, v20;
	v29 =	vadd.f32 v32, v18  }
0xef: {  	v51 =	vpop (erf);
	v46 =	vtrunc.f32 v8;
	v45 =	vadd.f32 v34, v18;
	v62 =	vadd.f32 v0, v2;
	v2 =	vld [tilespmem:$0x1FE20]  }
0xf0: {  	v52 =	vpop (erf);
	v27 =	vtrunc.f32 v27;
	v28 =	vmul.f32 v49, v28;
	v31 =	vadd.f32 v33, v20  }
0xf1: {  	v29 =	vmul.f32 v51, v29;
	v32 =	vmul.f32 v52, v45  }
0xf2: {  	v31 =	vmul.f32 v51, v31;
	v11 =	vadd.f32 v58, v20;
	v47 =	vadd.f32 v35, v18  }
0xf3: {  	v53 =	vpop (erf);
	v45 =	vtrunc.f32 v22;
	v49 =	vtrunc.f32 v32;
	v12 =	vadd.f32 v59, v20  }
0xf4: {  	s18 =	simm.s32 $0xF0;
	v11 =	vmul.f32 v52, v11;
	v34 =	vmul.f32 v53, v47;
	v39 =	vadd.f32 v23, v2;
	v2 =	vld [tilespmem:$0x1FE30]  }
0xf5: {  	v5 =	vor.u32 s18, v16;
	v47 =	vtrunc.f32 v29;
	v12 =	vmul.f32 v53, v12  }
0xf6: {  	v29 =	vcvt.f32.s32 v24;
	v32 =	vcvt.f32.s32 v47;
	v48 =	vadd.f32 v36, v18  }
0xf7: {  	v54 =	vpop (erf);
	v34 =	vtrunc.f32 v34;
	v51 =	vtrunc.f32 v12;
	v13 =	vadd.f32 v60, v20  }
0xf8: {  	v30 =	vor.u32 v9, v6;
	v35 =	vmul.f32 v54, v48;
	v48 =	vtrunc.f32 v31  }
0xf9: {  	v31 =	vcvt.f32.s32 v27;
	v13 =	vmul.f32 v54, v13;
	v15 =	vadd.f32 v0, v2;
	v2 =	vld [tilespmem:$0x1FE50]  }
0xfa: {  	v8 =	vcvt.f32.s32 v48;
	v35 =	vtrunc.f32 v35;
	v50 =	vadd.f32 v37, v18  }
0xfb: {  	v55 =	vpop (erf);
	v9 =	vshll.u32 v9, $0x9;
	v44 =	vcvt.f32.s32 v35;
	v52 =	vtrunc.f32 v13  }
0xfc: {  	v6 =	vadd.s32 v6, v9;
	v33 =	vmul.f32 v55, v50;
	v50 =	vtrunc.f32 v11  }
0xfd: {  	v11 =	vcvt.f32.s32 v52;
	v9 =	vcvt.f32.s32 v50;
	v7 =	vadd.f32 v61, v20  }
0xfe: {  	v33 =	vtrunc.f32 v33;
	v38 =	vadd.f32 v38, v18;
	v40 =	vadd.f32 v23, v2;
	v2 =	vld [tilespmem:$0x1FE60]  }
0xff: {  	v56 =	vpop (erf);
	vm0 =	vlt.u32 v30, $0x200;
	v61 =	vtrunc.f32 v25;
	v7 =	vmul.f32 v55, v7  }
0x100: {  	v3 =	vsel vm0, v6, v5;
	v25 =	vtrunc.f32 v26;
	v38 =	vmul.f32 v56, v38  }
0x101: {  	v6 =	vshll.u32 v1, $0x9;
	v24 =	vcvt.f32.s32 v61;
	v53 =	vtrunc.f32 v7  }
0x102: {  	v12 =	vcvt.f32.s32 v53;
	v54 =	vtrunc.f32 v38;
	v14 =	vadd.f32 v62, v20  }
0x103: {  	s20 =	simm.s32 $0x10;
	v62 =	vtrunc.f32 v28;
	v39 =	vadd.f32 v39, v18;
	v17 =	vadd.f32 v0, v2;
	v2 =	vld [tilespmem:$0x1FE80]  }
0x104: {  	v57 =	vpop (erf);
	v22 =	vor.u32 s20, v16;
	v28 =	vcvt.f32.s32 v43;
	v14 =	vmul.f32 v56, v14  }
0x105: {  	v38 =	vshll.u32 v24, $0x9;
	v43 =	vcvt.f32.s32 v34;
	v59 =	vmul.f32 v57, v39  }
0x106: {  	v27 =	vcvt.f32.s32 v62;
	v55 =	vtrunc.f32 v14;
	v40 =	vadd.f32 v40, v18  }
0x107: {  	v58 =	vpop (erf);
	v13 =	vcvt.f32.s32 v55;
	v36 =	vtrunc.f32 v59;
	v15 =	vadd.f32 v15, v20  }
0x108: {  	v40 =	vmul.f32 v58, v40;
	v17 =	vadd.f32 v17, v20;
	v42 =	vadd.f32 v23, v2;
	v2 =	vld [tilespmem:$0x1FE90]  }
0x109: {  	v62 =	vshll.u32 v9, $0x9;
	v34 =	vcvt.f32.s32 v36;
	v37 =	vmul.f32 v57, v15  }
0x10a: {  	v53 =	vor.u32 v27, v31;
	v40 =	vtrunc.f32 v40;
	v41 =	vmul.f32 v58, v17  }
0x10b: {  	v52 =	vshll.u32 v13, $0x9;
	v56 =	vtrunc.f32 v37;
	v35 =	vcvt.f32.s32 v40  }
0x10c: {  	v37 =	vor.u32 v24, v29;
	v57 =	vtrunc.f32 v41;
	v41 =	vcvt.f32.s32 v33  }
0x10d: {  	v33 =	vcvt.f32.s32 v54;
	v42 =	vadd.f32 v42, v18;
	v63 =	vadd.f32 v0, v2;
	v2 =	vld [tilespmem:$0x1FEB0]  }
0x10e: {  	v4 =	vpop (erf);
	v54 =	vshll.u32 v27, $0x9;
	v27 =	vcvt.f32.s32 v56;
	v14 =	vcvt.f32.s32 v57  }
0x10f: {  	v56 =	vor.u32 v8, v32;
	v57 =	vshll.u32 v12, $0x9;
	v42 =	vmul.f32 v4, v42  }
0x110: {  	v55 =	vor.u32 v13, v33;
	v50 =	vor.u32 v27, v34;
	v48 =	vor.u32 v14, v35  }
0x111: {  	v47 =	vshll.u32 v14, $0x9;
	v58 =	vtrunc.f32 v42;
	v42 =	vcvt.f32.s32 v49  }
0x112: {  	v49 =	vshll.u32 v27, $0x9;
	v27 =	vadd.s32 v28, v6;
	v23 =	vadd.f32 v23, v2;
	v2 =	vld [tilespmem:$0x1FEC0]  }
0x113: {  	v10 =	vadd.f32 v63, v20;
	v63 =	vcvt.f32.s32 v45;
	v45 =	vor.u32 v1, v28  }
0x114: {  	v1 =	vcvt.f32.s32 v46;
	v36 =	vcvt.f32.s32 v58;
	v58 =	vshll.u32 v8, $0x9  }
0x115: {  	s21 =	simm.s32 $0x20;
	v61 =	vor.u32 v9, v42;
	vm0 =	vlt.u32 v45, $0x200;
	v30 =	vmul.f32 v4, v10  }
0x116: {  	s22 =	simm.s32 $0x30;
	v10 =	vtrunc.f32 v21;
	v21 =	vor.u32 s21, v16;
	v23 =	vadd.f32 v23, v18  }
0x117: {  	s19 =	simm.s32 $0x0;
	s23 =	simm.s32 $0x40;
	v15 =	vpop (erf);
	v4 =	vcvt.f32.s32 v10;
	v0 =	vadd.f32 v0, v2;
	v2 =	vor.u32 s22, v16  }
0x118: {  	v39 =	vmul.f32 v15, v23;
	v23 =	vor.u32 s19, v16;
	s19 =	simm.s32 $0x50;
	[tilespmem:$0x1FB10] =	vst v2;
	v2 =	vor.u32 s23, v16  }
0x119: {  	s20 =	simm.s32 $0x60;
	v10 =	vcvt.f32.s32 v51;
	v51 =	vshll.u32 v1, $0x9;
	[tilespmem:$0x1FB20] =	vst v2;
	v2 =	vor.u32 s19, v16  }
0x11a: {  	s21 =	simm.s32 $0x70;
	v59 =	vtrunc.f32 v30;
	v30 =	vcvt.f32.s32 v25;
	[tilespmem:$0x1FB30] =	vst v2;
	v2 =	vor.u32 s20, v16  }
0x11b: {  	v5 =	vor.u32 v63, v4;
	v25 =	vcvt.f32.s32 v59;
	s22 =	simm.s32 $0x80;
	[tilespmem:$0x1FB40] =	vst v2;
	v2 =	vor.u32 s21, v16  }
0x11c: {  	v59 =	vor.u32 v12, v41;
	s23 =	simm.s32 $0x90;
	v0 =	vadd.f32 v0, v20;
	[tilespmem:$0x1FB50] =	vst v2;
	v2 =	vor.u32 s22, v16  }
0x11d: {  	vm1 =	vlt.u32 v5, $0x200;
	v46 =	vor.u32 v25, v36;
	s19 =	simm.s32 $0xA0;
	[tilespmem:$0x1FB60] =	vst v2;
	v2 =	vor.u32 s23, v16  }
0x11e: {  	v45 =	vshll.u32 v25, $0x9;
	s20 =	simm.s32 $0xB0;
	v0 =	vmul.f32 v15, v0;
	[tilespmem:$0x1FB70] =	vst v2;
	v2 =	vor.u32 s19, v16  }
0x11f: {  	v60 =	vtrunc.f32 v39;
	v39 =	vor.u32 v1, v30;
	s21 =	simm.s32 $0xC0;
	[tilespmem:$0x1FB80] =	vst v2;
	v2 =	vor.u32 s20, v16  }
0x120: {  	v1 =	vshll.u32 v11, $0x9;
	s22 =	simm.s32 $0xD0;
	v0 =	vtrunc.f32 v0;
	[tilespmem:$0x1FB90] =	vst v2;
	v2 =	vor.u32 s21, v16  }
0x121: {  	v24 =	vcvt.f32.s32 v60;
	s23 =	simm.s32 $0xE0;
	v26 =	vcvt.f32.s32 v0;
	[tilespmem:$0x1FBA0] =	vst v2;
	v2 =	vor.u32 s22, v16  }
0x122: {  	v60 =	vor.u32 v11, v44;
	v0 =	vshll.u32 v10, $0x9;
	[tilespmem:$0x1FBB0] =	vst v2;
	v2 =	vor.u32 s23, v16  }
0x123: {  	s19 =	simm.s32 $0x110;
	v25 =	vor.u32 v26, v24;
	s21 =	sadd.s32 $0x1, s16;
	v26 =	vshll.u32 v26, $0x9;
	[tilespmem:$0x1FBC0] =	vst v2;
	v2 =	vshll.u32 v63, $0x9  }
0x124: {  	s18 =	simm.s32 $0x110;
	[tilespmem:s19+$0x70] =	vst v3;
	s20 =	simm.s32 $0x1F0;
	v40 =	vmov s21;
	s22 =	simm.s32 $0x2F0;
	v63 =	vor.u32 v10, v43;
	v28 =	vadd.s32 v4, v2  }
.LBB2_3:
0x125: {  	v3 =	vld [tilespmem:$0x1FBF0]  }
0x126: {  	v2 =	vcvt.s32.f32 v40;
	_ =	sdelay $0x1  }
0x127: {  	v2 =	vbroadcast v2, $0x0;
	_ =	sdelay $0x1  }
0x128: {  	v13 =	vmul.f32 v2, v3;
	v3 =	vld [tilespmem:$0x1FC30];
	_ =	sdelay $0x4  }
0x129: {  	v14 =	vadd.f32 v13, v3;
	v3 =	vld [tilespmem:$0x1FC60];
	_ =	sdelay $0x4  }
0x12a: {  	vm3 =	vlt.u32 v60, $0x200;
	v60 =	vadd.f32 v13, v3;
	v3 =	vld [tilespmem:$0x1FC90];
	_ =	sdelay $0x4  }
0x12b: {  	vm6 =	vlt.u32 v61, $0x200;
	v61 =	vadd.f32 v13, v3;
	v3 =	vld [tilespmem:$0x1FCC0];
	_ =	sdelay $0x3  }
0x12c: {  	vm13 =	vlt.u32 v37, $0x200  }
0x12d: {  	v37 =	vadd.s32 v32, v58;
	v32 =	vadd.s32 v42, v62;
	v62 =	vadd.f32 v13, v3;
	v3 =	vld [tilespmem:$0x1FCF0];
	_ =	sdelay $0x4  }
0x12e: {  	vm5 =	vlt.u32 v63, $0x200;
	v63 =	vadd.f32 v13, v3;
	v3 =	vld [tilespmem:$0x1FD20];
	_ =	sdelay $0x4  }
0x12f: {  	v6 =	vadd.f32 v13, v3;
	v3 =	vld [tilespmem:$0x1FD50];
	_ =	sdelay $0x4  }
0x130: {  	v7 =	vadd.f32 v13, v3;
	v3 =	vld [tilespmem:$0x1FDB0];
	_ =	sdelay $0x4  }
0x131: {  	v8 =	vadd.f32 v13, v3;
	v3 =	vld [tilespmem:$0x1FDE0];
	_ =	sdelay $0x4  }
0x132: {  	v9 =	vadd.f32 v13, v3;
	v3 =	vld [tilespmem:$0x1FE10];
	_ =	sdelay $0x4  }
0x133: {  	v10 =	vadd.f32 v13, v3;
	v3 =	vld [tilespmem:$0x1FE40];
	_ =	sdelay $0x4  }
0x134: {  	v11 =	vadd.f32 v13, v3;
	v3 =	vld [tilespmem:$0x1FE70];
	_ =	sdelay $0x4  }
0x135: {  	v12 =	vadd.f32 v13, v3;
	v3 =	vld [tilespmem:$0x1FBD0];
	_ =	sdelay $0x3  }
0x136: {  	v40 =	vadd.s32 v29, v38;
	v29 =	vadd.s32 v44, v1;
	v1 =	vld [tilespmem:$0x1FED0]  }
0x137: {  	v35 =	vadd.s32 v35, v47;
	v47 =	vmul.f32 v2, v3;
	v3 =	vld [tilespmem:$0x1FBE0];
	_ =	sdelay $0x4  }
0x138: {  	v1 =	vadd.f32 v13, v1;
	v2 =	vmul.f32 v2, v3;
	v3 =	vld [tilespmem:$0x1FEA0];
	_ =	sdelay $0x1  }
0x139: {  	v1 =	vadd.f32 $1.000000000e+00, v1  }
0x13a: {  	v38 =	vadd.s32 v31, v54;
	v31 =	vadd.s32 v43, v0;
	v0 =	vld [tilespmem:$0x1FC00]  }
0x13b: {  	(erf) = vrcp.f32 v1;
	v1 =	vld [tilespmem:$0x1FD80]  }
0x13c: {  	v42 =	vadd.f32 v13, v3;
	v3 =	vld [tilespmem:$0x1FEE0];
	_ =	sdelay $0x3  }
0x13d: {  	v0 =	vadd.f32 v13, v0  }
0x13e: {  	v1 =	vadd.f32 v13, v1;
	v13 =	vadd.f32 v47, v3;
	v3 =	vld [tilespmem:$0x1FEF0];
	_ =	sdelay $0x3  }
0x13f: {  	vm12 =	vlt.u32 v39, $0x200;
	v39 =	vadd.s32 v30, v51;
	v0 =	vadd.f32 $1.000000000e+00, v0  }
0x140: {  	v30 =	vadd.s32 v41, v57;
	v41 =	vadd.f32 $1.000000000e+00, v14;
	v14 =	vadd.f32 v2, v3;
	_ =	sdelay $0x1  }
0x141: {  	(erf) = vrcp.f32 v0;
	v0 =	vadd.f32 v13, v18;
	v58 =	vadd.f32 v14, v20  }
0x142: {  	v44 =	vadd.f32 $1.000000000e+00, v61;
	v61 =	vpop (erf)  }
0x143: {  	v0 =	vmul.f32 v61, v0;
	v43 =	vmul.f32 v61, v58;
	_ =	sdelay $0x1  }
0x144: {  	v0 =	vtrunc.f32 v0;
	v43 =	vtrunc.f32 v43  }
0x145: {  	v3 =	vadd.f32 $1.000000000e+00, v60;
	v0 =	vcvt.f32.s32 v0;
	v43 =	vcvt.f32.s32 v43  }
0x146: {  	(erf) = vrcp.f32 v41  }
0x147: {  	(erf) = vrcp.f32 v3;
	v3 =	vor.u32 v43, v0;
	v5 =	vshll.u32 v43, $0x9  }
0x148: {  	vm14 =	vlt.u32 v3, $0x200;
	v5 =	vadd.s32 v0, v5;
	v3 =	vor.u32 s20, v16  }
0x149: {  	v4 =	vsel vm14, v5, v3;
	v3 =	vld [tilespmem:$0x1FC10];
	_ =	sdelay $0x4  }
0x14a: {  	vm9 =	vlt.u32 v46, $0x200;
	v46 =	vadd.f32 v47, v3;
	v3 =	vld [tilespmem:$0x1FC20];
	_ =	sdelay $0x4  }
0x14b: {  	vm11 =	vlt.u32 v53, $0x200;
	v53 =	vadd.f32 v2, v3;
	v3 =	vld [tilespmem:$0x1FC40]  }
0x14c: {  	vm2 =	vlt.u32 v59, $0x200;
	v59 =	vadd.f32 $1.000000000e+00, v62  }
0x14d: {  	v33 =	vadd.s32 v33, v52;
	v60 =	vadd.f32 $1.000000000e+00, v63;
	(erf) = vrcp.f32 v44  }
0x14e: {  	vm7 =	vlt.u32 v50, $0x200;
	v52 =	vpop (erf);
	v50 =	vadd.f32 $1.000000000e+00, v6;
	(erf) = vrcp.f32 v59  }
0x14f: {  	v43 =	vpop (erf);
	(erf) = vrcp.f32 v60  }
0x150: {  	v0 =	vpop (erf);
	(erf) = vrcp.f32 v50;
	v50 =	vadd.f32 v47, v3;
	v3 =	vld [tilespmem:$0x1FC50];
	_ =	sdelay $0x4  }
0x151: {  	v54 =	vadd.f32 v2, v3;
	v3 =	vld [tilespmem:$0x1FC70];
	_ =	sdelay $0x4  }
0x152: {  	v36 =	vadd.s32 v36, v45;
	v45 =	vadd.f32 v47, v3;
	v3 =	vld [tilespmem:$0x1FC80];
	_ =	sdelay $0x4  }
0x153: {  	vm4 =	vlt.u32 v55, $0x200;
	v55 =	vadd.f32 v2, v3;
	v3 =	vld [tilespmem:$0x1FCB0];
	_ =	sdelay $0x4  }
0x154: {  	v57 =	vadd.f32 v2, v3;
	v3 =	vld [tilespmem:$0x1FCD0];
	_ =	sdelay $0x4  }
0x155: {  	v44 =	vadd.f32 v47, v3;
	v3 =	vld [tilespmem:$0x1FCE0];
	_ =	sdelay $0x4  }
0x156: {  	v62 =	vadd.f32 $1.000000000e+00, v7;
	v58 =	vadd.f32 v2, v3;
	v3 =	vld [tilespmem:$0x1FD00]  }
0x157: {  	v1 =	vadd.f32 $1.000000000e+00, v1  }
0x158: {  	vm10 =	vlt.u32 v56, $0x200;
	v63 =	vadd.f32 $1.000000000e+00, v8;
	(erf) = vrcp.f32 v62  }
0x159: {  	v34 =	vadd.s32 v34, v49;
	v49 =	vadd.f32 $1.000000000e+00, v9;
	v56 =	vpop (erf);
	(erf) = vrcp.f32 v1  }
0x15a: {  	(erf) = vrcp.f32 v63  }
0x15b: {  	(erf) = vrcp.f32 v49;
	v49 =	vadd.f32 v47, v3;
	v3 =	vld [tilespmem:$0x1FD10];
	_ =	sdelay $0x4  }
0x15c: {  	v59 =	vadd.f32 v2, v3;
	v3 =	vld [tilespmem:$0x1FD30];
	_ =	sdelay $0x4  }
0x15d: {  	v51 =	vadd.f32 v47, v3;
	v3 =	vld [tilespmem:$0x1FD40];
	_ =	sdelay $0x4  }
0x15e: {  	v61 =	vadd.f32 v2, v3;
	v3 =	vld [tilespmem:$0x1FD60];
	_ =	sdelay $0x1  }
0x15f: {  	v6 =	vld [tilespmem:$0x1FDF0];
	v8 =	vadd.f32 $1.000000000e+00, v10  }
0x160: {  	vm8 =	vlt.u32 v48, $0x200;
	v48 =	vadd.f32 $1.000000000e+00, v11;
	v9 =	vadd.f32 $1.000000000e+00, v12;
	v12 =	vld [tilespmem:$0x1FE00]  }
0x161: {  	v60 =	vpop (erf);
	(erf) = vrcp.f32 v8  }
0x162: {  	(erf) = vrcp.f32 v48;
	v48 =	vadd.f32 v47, v3;
	v3 =	vld [tilespmem:$0x1FD70];
	_ =	sdelay $0x1  }
0x163: {  	v11 =	vld [tilespmem:$0x1FDD0]  }
0x164: {  	vm14 =	vlt.u32 v25, $0x200;
	v25 =	vadd.f32 v47, v6;
	v6 =	vadd.f32 v2, v12;
	v12 =	vld [tilespmem:$0x1FE80]  }
0x165: {  	v13 =	vld [tilespmem:$0x1FE30]  }
0x166: {  	v62 =	vadd.f32 v2, v3;
	v3 =	vld [tilespmem:$0x1FD90]  }
0x167: {  	v23 =	vsel vm0, v27, v23;
	v8 =	vld [tilespmem:$0x1FE20]  }
0x168: {  	s19 =	sadd.s32 $0x100, s19;
	[tilespmem:s18+$0xFFFFFF80] =	vst v23;
	v42 =	vadd.f32 $1.000000000e+00, v42;
	v1 =	vld [tilespmem:$0x1FCA0]  }
0x169: {  	[tilespmem:s19+$0x70] =	vst v4;
	v4 =	vadd.f32 v2, v11;
	v23 =	vadd.f32 v47, v12;
	v12 =	vld [tilespmem:$0x1FE90]  }
0x16a: {  	v10 =	vld [tilespmem:$0x1FDC0];
	v25 =	vadd.f32 v25, v18;
	v6 =	vadd.f32 v6, v20  }
0x16b: {  	v24 =	vadd.s32 v24, v26;
	v4 =	vadd.f32 v4, v20;
	v41 =	vadd.f32 v47, v3;
	v3 =	vld [tilespmem:$0x1FDA0]  }
0x16c: {  	v21 =	vsel vm13, v40, v21;
	v26 =	vadd.f32 v47, v8;
	v8 =	vadd.f32 v2, v13;
	v13 =	vld [tilespmem:$0x1FEB0]  }
0x16d: {  	[tilespmem:s18+$0xFFFFFFA0] =	vst v21;
	v21 =	vadd.f32 v46, v18;
	v1 =	vadd.f32 v47, v1  }
0x16e: {  	v22 =	vsel vm1, v28, v22;
	v23 =	vadd.f32 v23, v18;
	v28 =	vadd.f32 v2, v12  }
0x16f: {  	v14 =	vld [tilespmem:$0x1FE60];
	(erf) = vrcp.f32 v9;
	v1 =	vadd.f32 v1, v18;
	v8 =	vadd.f32 v8, v20  }
0x170: {  	v63 =	vadd.f32 v2, v3;
	v3 =	vpop (erf);
	(erf) = vrcp.f32 v42;
	v42 =	vadd.f32 v47, v10;
	v10 =	vld [tilespmem:$0x1FE50]  }
0x171: {  	[tilespmem:s18+$0xFFFFFF90] =	vst v22;
	v40 =	vld [tilespmem:$0x1FEC0];
	v1 =	vmul.f32 v56, v1;
	v22 =	vadd.f32 v47, v13;
	v13 =	vadd.f32 v57, v20  }
0x172: {  	v44 =	vadd.f32 v44, v18;
	v57 =	vadd.f32 v49, v18;
	v5 =	vpop (erf)  }
0x173: {  	v1 =	vtrunc.f32 v1;
	v51 =	vadd.f32 v51, v18;
	v41 =	vadd.f32 v41, v18;
	v7 =	vpop (erf)  }
0x174: {  	v44 =	vmul.f32 v60, v44;
	v63 =	vadd.f32 v63, v20;
	v42 =	vadd.f32 v42, v18;
	v9 =	vpop (erf)  }
0x175: {  	v11 =	vpop (erf);
	v41 =	vmul.f32 v9, v41;
	v27 =	vadd.f32 v47, v10;
	v10 =	vadd.f32 v2, v14;
	v47 =	vld [tilespmem:$0x1FB10]  }
0x176: {  	v9 =	vmul.f32 v9, v63;
	v12 =	vpop (erf);
	v2 =	vadd.f32 v2, v40;
	v14 =	vadd.f32 v58, v20  }
0x177: {  	v58 =	vadd.f32 v59, v20;
	v4 =	vmul.f32 v11, v4;
	v40 =	vpop (erf);
	v6 =	vmul.f32 v12, v6  }
0x178: {  	v9 =	vtrunc.f32 v9;
	v10 =	vadd.f32 v10, v20;
	v8 =	vmul.f32 v40, v8  }
0x179: {  	v59 =	vadd.f32 v61, v20;
	v46 =	vpop (erf);
	v4 =	vtrunc.f32 v4;
	v6 =	vtrunc.f32 v6  }
0x17a: {  	v4 =	vcvt.f32.s32 v4;
	v10 =	vmul.f32 v46, v10;
	v19 =	vsel vm12, v39, v47;
	v47 =	vld [tilespmem:$0x1FB20]  }
0x17b: {  	v8 =	vtrunc.f32 v8;
	v39 =	vadd.f32 v53, v20;
	v53 =	vadd.f32 v54, v20;
	v54 =	vld [tilespmem:$0x1FB30]  }
0x17c: {  	v27 =	vadd.f32 v27, v18;
	v6 =	vcvt.f32.s32 v6;
	v8 =	vcvt.f32.s32 v8  }
0x17d: {  	[tilespmem:s18+$0xFFFFFFB0] =	vst v19;
	v19 =	vadd.f32 v50, v18;
	v50 =	vmul.f32 v60, v14;
	v60 =	vmul.f32 v12, v25  }
0x17e: {  	v61 =	vadd.f32 v48, v18;
	v14 =	vmul.f32 v46, v27;
	v10 =	vtrunc.f32 v10  }
0x17f: {  	v19 =	vmul.f32 v43, v19;
	v48 =	vtrunc.f32 v50;
	v17 =	vsel vm11, v38, v47  }
0x180: {  	v15 =	vsel vm10, v37, v54;
	v38 =	vmul.f32 v43, v53;
	v43 =	vmul.f32 v3, v57  }
0x181: {  	v37 =	vadd.f32 v55, v20;
	v3 =	vmul.f32 v3, v58;
	v55 =	vmul.f32 v5, v51  }
0x182: {  	v22 =	vadd.f32 v22, v18;
	v5 =	vmul.f32 v5, v59;
	v58 =	vmul.f32 v11, v42  }
0x183: {  	v2 =	vadd.f32 v2, v20;
	v47 =	vpop (erf);
	v11 =	vtrunc.f32 v60;
	[tilespmem:s18+$0xFFFFFFC0] =	vst v17;
	v17 =	vmul.f32 v52, v21  }
0x184: {  	v21 =	vadd.f32 v45, v18;
	v45 =	vpop (erf);
	[tilespmem:s18+$0xFFFFFFD0] =	vst v15;
	v15 =	vmul.f32 v52, v39;
	v39 =	vmul.f32 v56, v13  }
0x185: {  	v25 =	vmul.f32 v47, v23;
	v27 =	vmul.f32 v45, v22  }
0x186: {  	v2 =	vmul.f32 v45, v2;
	v50 =	vtrunc.f32 v43  }
0x187: {  	v28 =	vadd.f32 v28, v20;
	v3 =	vtrunc.f32 v3;
	v52 =	vtrunc.f32 v55  }
0x188: {  	v62 =	vadd.f32 v62, v20;
	v5 =	vtrunc.f32 v5;
	v58 =	vtrunc.f32 v58  }
0x189: {  	v26 =	vadd.f32 v26, v18;
	v21 =	vmul.f32 v0, v21;
	v0 =	vmul.f32 v0, v37  }
0x18a: {  	v37 =	vmul.f32 v7, v61;
	v7 =	vmul.f32 v7, v62  }
0x18b: {  	v62 =	vmul.f32 v40, v26;
	v26 =	vmul.f32 v47, v28  }
0x18c: {  	v57 =	vld [tilespmem:$0x1FB50];
	v28 =	vtrunc.f32 v17;
	v25 =	vtrunc.f32 v25  }
0x18d: {  	v59 =	vld [tilespmem:$0x1FB60];
	v3 =	vcvt.f32.s32 v3;
	v5 =	vcvt.f32.s32 v5  }
0x18e: {  	s23 =	sadd.s32 $0xFFFFFF10, s20;
	v49 =	vshll.u32 v8, $0x9;
	v56 =	vld [tilespmem:$0x1FB40];
	v27 =	vtrunc.f32 v27;
	v28 =	vcvt.f32.s32 v28  }
0x18f: {  	v23 =	vor.u32 s23, v16;
	s23 =	sadd.s32 $0xFFFFFF20, s20;
	v2 =	vtrunc.f32 v2;
	v0 =	vtrunc.f32 v0  }
0x190: {  	v22 =	vor.u32 s23, v16;
	v54 =	vtrunc.f32 v37;
	v7 =	vtrunc.f32 v7  }
0x191: {  	v61 =	vld [tilespmem:$0x1FB70];
	v31 =	vsel vm5, v31, v57;
	v12 =	vtrunc.f32 v62;
	v62 =	vtrunc.f32 v14  }
0x192: {  	v63 =	vld [tilespmem:$0x1FB80];
	v29 =	vsel vm3, v29, v59;
	v26 =	vtrunc.f32 v26;
	v2 =	vcvt.f32.s32 v2;
	[tilespmem:s18+$0xFFFFFFF0] =	vst v31  }
0x193: {  	s23 =	sadd.s32 $0xFFFFFF30, s20;
	v32 =	vsel vm6, v32, v56;
	[tilespmem:s18+$0x0] =	vst v29;
	v29 =	vtrunc.f32 v19;
	v31 =	vtrunc.f32 v21  }
0x194: {  	v40 =	vld [tilespmem:$0x1FB90];
	v21 =	vor.u32 s23, v16;
	s23 =	sadd.s32 $0xFFFFFF40, s20;
	v56 =	vtrunc.f32 v41;
	v0 =	vcvt.f32.s32 v0  }
0x195: {  	v41 =	vcvt.f32.s32 v58;
	v58 =	vshll.u32 v3, $0x9;
	v51 =	vor.u32 s23, v16;
	s23 =	sadd.s32 $0xFFFFFF50, s20  }
0x196: {  	v42 =	vld [tilespmem:$0x1FBA0];
	v13 =	vsel vm2, v30, v61;
	v30 =	vtrunc.f32 v38;
	v53 =	vor.u32 s23, v16  }
0x197: {  	s23 =	sadd.s32 $0xFFFFFF60, s20;
	v38 =	vshll.u32 v0, $0x9;
	[tilespmem:s18+$0x10] =	vst v13;
	v13 =	vsel vm4, v33, v63;
	v33 =	vtrunc.f32 v39  }
0x198: {  	v46 =	vld [tilespmem:$0x1FBB0];
	[tilespmem:$0x1FB10] =	vst v51;
	v55 =	vor.u32 s23, v16;
	s23 =	sadd.s32 $0xFFFFFF70, s20;
	v43 =	vcvt.f32.s32 v30;
	v30 =	vcvt.f32.s32 v1  }
0x199: {  	s21 =	sadd.s32 $0x1, s21;
	[tilespmem:s18+$0x20] =	vst v13;
	v13 =	vsel vm7, v34, v40;
	v34 =	vtrunc.f32 v44;
	v57 =	vor.u32 s23, v16  }
0x19a: {  	v47 =	vld [tilespmem:$0x1FBC0];
	[tilespmem:$0x1FB30] =	vst v55;
	s23 =	sadd.s32 $0xFFFFFF80, s20;
	v1 =	vcvt.f32.s32 v33;
	v33 =	vcvt.f32.s32 v11;
	v40 =	vmov s21  }
0x19b: {  	[tilespmem:s18+$0x30] =	vst v13;
	v13 =	vsel vm8, v35, v42;
	v59 =	vor.u32 s23, v16;
	v19 =	vshll.u32 v43, $0x9  }
0x19c: {  	[tilespmem:$0x1FB40] =	vst v57;
	s23 =	sadd.s32 $0xFFFFFF90, s20;
	v35 =	vcvt.f32.s32 v62;
	v62 =	vshll.u32 v5, $0x9;
	v57 =	vshll.u32 v4, $0x9  }
0x19d: {  	[tilespmem:s18+$0x40] =	vst v13;
	v13 =	vsel vm9, v36, v46;
	v60 =	vor.u32 s23, v16;
	v39 =	vor.u32 v1, v30  }
0x19e: {  	[tilespmem:$0x1FB50] =	vst v59;
	v46 =	vcvt.f32.s32 v9;
	v51 =	vshll.u32 v1, $0x9;
	v36 =	vcvt.f32.s32 v25  }
0x19f: {  	s23 =	sadd.s32 $0xFFFFFFA0, s20;
	v59 =	vor.u32 v4, v41;
	v55 =	vor.u32 v6, v33;
	[tilespmem:s18+$0x50] =	vst v13;
	v13 =	vsel vm14, v24, v47  }
0x1a0: {  	v24 =	vtrunc.f32 v15;
	v61 =	vor.u32 s23, v16;
	s23 =	sadd.s32 $0xFFFFFFB0, s20;
	v47 =	vcvt.f32.s32 v10  }
0x1a1: {  	[tilespmem:s18+$0x60] =	vst v13;
	v63 =	vor.u32 s23, v16;
	s23 =	sadd.s32 $0xFFFFFFC0, s20;
	v24 =	vcvt.f32.s32 v24;
	v13 =	vcvt.f32.s32 v29  }
0x1a2: {  	[tilespmem:s18+$0xFFFFFFE0] =	vst v32;
	v29 =	vcvt.f32.s32 v31;
	v31 =	vcvt.f32.s32 v34;
	v32 =	vor.u32 s23, v16;
	s23 =	sadd.s32 $0xFFFFFFD0, s20  }
0x1a3: {  	v34 =	vcvt.f32.s32 v12;
	v1 =	vshll.u32 v46, $0x9;
	v37 =	vor.u32 s23, v16  }
0x1a4: {  	v14 =	vor.u32 v24, v28;
	v15 =	vshll.u32 v24, $0x9;
	v24 =	vcvt.f32.s32 v48  }
0x1a5: {  	[tilespmem:$0x1FB90] =	vst v32;
	v17 =	vor.u32 v43, v13;
	v32 =	vcvt.f32.s32 v50;
	v43 =	vcvt.f32.s32 v54  }
0x1a6: {  	s23 =	sadd.s32 $0xFFFFFFE0, s20;
	v50 =	vor.u32 v8, v34;
	v48 =	vor.u32 v47, v35;
	v47 =	vshll.u32 v47, $0x9  }
0x1a7: {  	[tilespmem:$0x1FBA0] =	vst v37;
	v42 =	vor.u32 s23, v16;
	s23 =	sadd.s32 $0xFFFFFFF0, s20;
	v37 =	vor.u32 v0, v29;
	v0 =	vcvt.f32.s32 v7  }
0x1a8: {  	[tilespmem:$0x1FB20] =	vst v53;
	vm0 =	vlt.u32 v14, $0x200;
	vm1 =	vlt.u32 v17, $0x200;
	v44 =	vor.u32 s23, v16  }
0x1a9: {  	p0 =	sne.s32 s22, $0x7F0;
	[tilespmem:$0x1FBB0] =	vst v42;
	v42 =	vcvt.f32.s32 v52;
	v53 =	vor.u32 v24, v31;
	v54 =	vshll.u32 v24, $0x9  }
.Ltmp0:
0x1aa: {  	v24 =	vcvt.f32.s32 v27;
	v52 =	vshll.u32 v6, $0x9;
	v27 =	vadd.s32 v28, v15;
	(pc) =	sbr.rel @p0 .LBB2_3-.Ltmp0, $4  }
0x1ab: {  	v28 =	vadd.s32 v13, v19;
	[tilespmem:$0x1FBC0] =	vst v44;
	v44 =	vcvt.f32.s32 v56;
	v56 =	vor.u32 v3, v32  }
0x1ac: {  	[tilespmem:$0x1FB80] =	vst v63;
	v3 =	vcvt.f32.s32 v26;
	v63 =	vor.u32 v0, v43;
	v0 =	vshll.u32 v0, $0x9  }
0x1ad: {  	[tilespmem:$0x1FB70] =	vst v61;
	v26 =	vshll.u32 v2, $0x9;
	v61 =	vor.u32 v5, v42;
	v25 =	vor.u32 v2, v24  }
0x1ae: {  	[tilespmem:$0x1FB60] =	vst v60;
	s18 =	smov.u32 s19;
	s20 =	smov.u32 s22;
	s22 =	sadd.s32 $0x100, s22;
	v60 =	vor.u32 v46, v44;
	v46 =	vor.u32 v3, v36;
	v45 =	vshll.u32 v3, $0x9  }
0x1af: {  	v8 =	vld [tilespmem:$0x1FBF0]  }
0x1b0: {  	vm6 =	vlt.u32 v63, $0x200;
	v63 =	vadd.s32 v43, v0;
	v43 =	vld [tilespmem:$0x1FC00]  }
0x1b1: {  	v1 =	vadd.s32 v44, v1;
	v44 =	vld [tilespmem:$0x1FED0]  }
0x1b2: {  	v4 =	vadd.s32 v30, v51;
	v51 =	vld [tilespmem:$0x1FC30]  }
0x1b3: {  	vm11 =	vlt.u32 v53, $0x200;
	v53 =	vld [tilespmem:$0x1FC60]  }
0x1b4: {  	v5 =	vadd.s32 v31, v54;
	v54 =	vld [tilespmem:$0x1FC90]  }
0x1b5: {  	vm7 =	vlt.u32 v55, $0x200;
	v55 =	vld [tilespmem:$0x1FCC0]  }
0x1b6: {  	vm10 =	vlt.u32 v56, $0x200;
	v56 =	vld [tilespmem:$0x1FCF0]  }
0x1b7: {  	v13 =	vadd.s32 v41, v57;
	v57 =	vld [tilespmem:$0x1FD20]  }
0x1b8: {  	v6 =	vadd.s32 v32, v58;
	v58 =	vld [tilespmem:$0x1FD50]  }
0x1b9: {  	vm4 =	vlt.u32 v59, $0x200;
	v59 =	vld [tilespmem:$0x1FD80]  }
0x1ba: {  	v2 =	vcvt.s32.f32 v40;
	vm3 =	vlt.u32 v60, $0x200;
	v60 =	vld [tilespmem:$0x1FDB0]  }
0x1bb: {  	vm8 =	vlt.u32 v61, $0x200;
	v61 =	vld [tilespmem:$0x1FDE0]  }
0x1bc: {  	v41 =	vld [tilespmem:$0x1FE10];
	v2 =	vbroadcast v2, $0x0  }
0x1bd: {  	v7 =	vadd.s32 v42, v62;
	v42 =	vld [tilespmem:$0x1FE40]  }
0x1be: {  	vm12 =	vlt.u32 v39, $0x200;
	v39 =	vadd.s32 v34, v49;
	v49 =	vld [tilespmem:$0x1FBE0];
	v8 =	vmul.f32 v2, v8  }
0x1bf: {  	vm9 =	vlt.u32 v50, $0x200;
	v50 =	vld [tilespmem:$0x1FEA0]  }
0x1c0: {  	vm2 =	vlt.u32 v46, $0x200;
	v46 =	vld [tilespmem:$0x1FC10];
	v9 =	vadd.f32 v8, v43;
	v10 =	vadd.f32 v8, v44  }
0x1c1: {  	vm5 =	vlt.u32 v48, $0x200;
	v48 =	vld [tilespmem:$0x1FC40];
	v11 =	vadd.f32 v8, v51;
	v12 =	vadd.f32 v8, v53  }
0x1c2: {  	vm15 =	vlt.u32 v25, $0x200;
	v25 =	vld [tilespmem:$0x1FDF0];
	v14 =	vadd.f32 v8, v54;
	v15 =	vadd.f32 v8, v55  }
0x1c3: {  	v31 =	vmul.f32 v2, v49;
	v49 =	vld [tilespmem:$0x1FC50];
	v17 =	vadd.f32 v8, v56;
	v19 =	vadd.f32 v8, v57  }
0x1c4: {  	v3 =	vadd.s32 v29, v38;
	v29 =	vadd.f32 v8, v58;
	v32 =	vadd.f32 v8, v59;
	v43 =	vld [tilespmem:$0x1FE70]  }
0x1c5: {  	v0 =	vadd.s32 v33, v52;
	v33 =	vadd.f32 v8, v60;
	v44 =	vld [tilespmem:$0x1FBD0];
	v10 =	vadd.f32 $1.000000000e+00, v10  }
0x1c6: {  	v62 =	vadd.f32 v8, v61;
	v38 =	vadd.f32 v8, v41;
	v53 =	vld [tilespmem:$0x1FEE0]  }
0x1c7: {  	v34 =	vadd.f32 v8, v42;
	v55 =	vld [tilespmem:$0x1FEF0];
	v51 =	vadd.f32 $1.000000000e+00, v9;
	(erf) = vrcp.f32 v10  }
0x1c8: {  	v42 =	vadd.s32 v35, v47;
	v47 =	vld [tilespmem:$0x1FC20];
	v52 =	vadd.f32 $1.000000000e+00, v11;
	v12 =	vadd.f32 $1.000000000e+00, v12  }
0x1c9: {  	vm13 =	vlt.u32 v37, $0x200;
	v35 =	vld [tilespmem:$0x1FE20];
	v14 =	vadd.f32 $1.000000000e+00, v14;
	v59 =	vadd.f32 $1.000000000e+00, v15  }
0x1ca: {  	v30 =	vadd.s32 v36, v45;
	v17 =	vadd.f32 $1.000000000e+00, v17;
	v61 =	vadd.f32 $1.000000000e+00, v33;
	v33 =	vld [tilespmem:$0x1FE00]  }
0x1cb: {  	v60 =	vadd.f32 $1.000000000e+00, v19;
	v41 =	vmul.f32 v2, v44;
	v2 =	vadd.f32 v8, v50;
	v50 =	vld [tilespmem:$0x1FC70]  }
0x1cc: {  	v19 =	vadd.f32 $1.000000000e+00, v32;
	v62 =	vadd.f32 $1.000000000e+00, v62;
	(erf) = vrcp.f32 v51;
	v51 =	vld [tilespmem:$0x1FC80]  }
0x1cd: {  	v45 =	vor.u32 s20, v16;
	v56 =	vadd.f32 v31, v55;
	v55 =	vld [tilespmem:$0x1FCE0];
	v54 =	vadd.f32 v41, v53  }
0x1ce: {  	v36 =	vadd.f32 $1.000000000e+00, v38;
	v34 =	vadd.f32 $1.000000000e+00, v34;
	(erf) = vrcp.f32 v52;
	v52 =	vld [tilespmem:$0x1FCA0]  }
0x1cf: {  	v27 =	vsel vm0, v27, v23;
	v40 =	vadd.f32 v8, v43;
	v53 =	vld [tilespmem:$0x1FCB0];
	v57 =	vadd.f32 v54, v18  }
0x1d0: {  	v9 =	vadd.f32 v31, v47;
	v58 =	vadd.f32 v56, v20;
	v56 =	vld [tilespmem:$0x1FD00];
	v15 =	vpop (erf);
	(erf) = vrcp.f32 v12  }
0x1d1: {  	v43 =	vadd.f32 v31, v49;
	v54 =	vld [tilespmem:$0x1FCD0];
	v8 =	vmul.f32 v15, v57;
	(erf) = vrcp.f32 v14  }
0x1d2: {  	v38 =	vadd.f32 $1.000000000e+00, v40;
	v12 =	vld [tilespmem:$0x1FDC0];
	v11 =	vmul.f32 v15, v58;
	(erf) = vrcp.f32 v59  }
0x1d3: {  	v15 =	vadd.f32 $1.000000000e+00, v29;
	v57 =	vld [tilespmem:$0x1FD10];
	v8 =	vtrunc.f32 v8;
	(erf) = vrcp.f32 v17  }
0x1d4: {  	v2 =	vadd.f32 $1.000000000e+00, v2;
	v58 =	vld [tilespmem:$0x1FD30];
	v11 =	vtrunc.f32 v11;
	(erf) = vrcp.f32 v60  }
0x1d5: {  	v40 =	vadd.f32 v41, v48;
	v14 =	vld [tilespmem:$0x1FDD0];
	v8 =	vcvt.f32.s32 v8;
	(erf) = vrcp.f32 v15  }
0x1d6: {  	v9 =	vadd.f32 v9, v20;
	v59 =	vld [tilespmem:$0x1FD40];
	v11 =	vcvt.f32.s32 v11;
	(erf) = vrcp.f32 v19  }
0x1d7: {  	v43 =	vadd.f32 v43, v20;
	v49 =	vadd.f32 v31, v55;
	(erf) = vrcp.f32 v61;
	v61 =	vld [tilespmem:$0x1FD70]  }
0x1d8: {  	v47 =	vadd.f32 v31, v53;
	v60 =	vld [tilespmem:$0x1FD60];
	v37 =	vor.u32 v11, v8;
	v11 =	vshll.u32 v11, $0x9  }
0x1d9: {  	vm14 =	vlt.u32 v37, $0x200;
	v8 =	vadd.s32 v8, v11;
	(erf) = vrcp.f32 v62;
	v62 =	vld [tilespmem:$0x1FD90]  }
0x1da: {  	v29 =	vsel vm14, v8, v45;
	v45 =	vadd.f32 v31, v51;
	v51 =	vpop (erf);
	(erf) = vrcp.f32 v36;
	v36 =	vld [tilespmem:$0x1FB30]  }
0x1db: {  	v48 =	vadd.f32 v41, v54;
	v54 =	vadd.f32 v41, v58;
	v53 =	vpop (erf);
	(erf) = vrcp.f32 v34;
	v34 =	vld [tilespmem:$0x1FB20]  }
0x1dc: {  	v8 =	vadd.f32 v41, v46;
	v58 =	vadd.f32 v31, v61;
	v61 =	vadd.s32 v24, v26;
	v26 =	vld [tilespmem:$0x1FB10]  }
0x1dd: {  	v46 =	vadd.f32 v41, v52;
	v52 =	vadd.f32 v31, v57;
	(erf) = vrcp.f32 v38;
	v38 =	vld [tilespmem:$0x1FB40]  }
0x1de: {  	v28 =	vsel vm1, v28, v22;
	v57 =	vadd.f32 v41, v60;
	v60 =	vadd.f32 v31, v14;
	v14 =	vld [tilespmem:$0x1FB50]  }
0x1df: {  	s23 =	sadd.s32 $0xFFFFFF30, s20;
	v32 =	vsel vm13, v3, v21;
	v3 =	vadd.f32 v41, v12;
	v12 =	vld [tilespmem:$0x1FE50];
	v55 =	vadd.f32 v31, v59  }
0x1e0: {  	v21 =	vor.u32 s23, v16;
	v11 =	vld [tilespmem:$0x1FDA0];
	v59 =	vadd.f32 v41, v62;
	v62 =	vadd.f32 v41, v25  }
0x1e1: {  	v25 =	vsel vm12, v4, v26;
	v4 =	vadd.f32 v31, v33;
	v33 =	vsel vm10, v6, v36;
	v36 =	vld [tilespmem:$0x1FB60]  }
0x1e2: {  	v40 =	vadd.f32 v40, v18;
	v26 =	vsel vm11, v5, v34;
	v34 =	vsel vm8, v7, v38;
	v38 =	vld [tilespmem:$0x1FE80]  }
0x1e3: {  	s22 =	sadd.s32 $0xFFFFFF20, s20;
	s23 =	sadd.s32 $0xFFFFFF50, s20;
	v44 =	vadd.f32 v41, v50;
	v5 =	vadd.f32 v41, v35;
	v35 =	vsel vm6, v63, v14;
	v14 =	vld [tilespmem:$0x1FB80]  }
0x1e4: {  	v50 =	vadd.f32 v41, v56;
	v17 =	vor.u32 s22, v16;
	v15 =	vor.u32 s23, v16  }
0x1e5: {  	s22 =	sadd.s32 $0xFFFFFF40, s20;
	v37 =	vld [tilespmem:$0x1FE30];
	v56 =	vpop (erf);
	v8 =	vadd.f32 v8, v18;
	v43 =	vmul.f32 v53, v43;
	(erf) = vrcp.f32 v2  }
0x1e6: {  	s23 =	sadd.s32 $0xFFFFFF70, s20;
	v2 =	vadd.f32 v31, v11;
	v11 =	vor.u32 s22, v16;
	v24 =	vld [tilespmem:$0x1FE60];
	v7 =	vadd.f32 v41, v12  }
0x1e7: {  	[tilespmem:$0x1FAE0] =	vst v11;
	v12 =	vor.u32 s23, v16;
	v36 =	vsel vm3, v1, v36;
	v1 =	vadd.f32 v41, v38;
	v38 =	vld [tilespmem:$0x1FB90]  }
0x1e8: {  	s21 =	sadd.s32 $0xFFFFFF10, s20;
	v11 =	vmul.f32 v51, v8;
	[tilespmem:$0x1FB00] =	vst v12;
	v12 =	vsel vm7, v0, v14;
	v0 =	vadd.f32 v44, v18;
	v44 =	vld [tilespmem:$0x1FBA0]  }
0x1e9: {  	v19 =	vor.u32 s21, v16;
	v43 =	vtrunc.f32 v43;
	v51 =	vmul.f32 v51, v9  }
0x1ea: {  	v3 =	vadd.f32 v3, v18;
	v43 =	vcvt.f32.s32 v43;
	v11 =	vtrunc.f32 v11  }
0x1eb: {  	s22 =	sadd.s32 $0xFFFFFF60, s20;
	v2 =	vadd.f32 v2, v20;
	v11 =	vcvt.f32.s32 v11;
	v6 =	vadd.f32 v31, v37  }
0x1ec: {  	v10 =	vadd.f32 v31, v24;
	v37 =	vor.u32 s22, v16;
	v4 =	vadd.f32 v4, v20  }
0x1ed: {  	v38 =	vsel vm9, v39, v38;
	v39 =	vsel vm5, v42, v44;
	v42 =	vadd.f32 v45, v20  }
0x1ee: {  	v8 =	vmul.f32 v56, v0;
	v45 =	vadd.f32 v46, v18;
	v46 =	vadd.f32 v47, v20  }
0x1ef: {  	s23 =	sadd.s32 $0xFFFFFF90, s20;
	v47 =	vmul.f32 v53, v40;
	v40 =	vadd.f32 v48, v18;
	v48 =	vadd.f32 v49, v20  }
0x1f0: {  	v22 =	vor.u32 s23, v16;
	v49 =	vadd.f32 v50, v18;
	v50 =	vadd.f32 v52, v20  }
0x1f1: {  	v8 =	vtrunc.f32 v8;
	v52 =	vadd.f32 v54, v18;
	v54 =	vadd.f32 v55, v20  }
0x1f2: {  	v63 =	vld [tilespmem:$0x1FB70];
	v53 =	vpop (erf);
	v8 =	vcvt.f32.s32 v8;
	v55 =	vmul.f32 v56, v42;
	v42 =	vadd.f32 v57, v18  }
0x1f3: {  	v56 =	vadd.f32 v58, v20;
	v45 =	vmul.f32 v53, v45;
	v57 =	vadd.f32 v59, v18;
	v58 =	vpop (erf)  }
0x1f4: {  	v46 =	vmul.f32 v53, v46;
	v59 =	vadd.f32 v60, v20;
	v53 =	vpop (erf);
	v60 =	vmul.f32 v58, v40  }
0x1f5: {  	v5 =	vadd.f32 v5, v18;
	v48 =	vmul.f32 v58, v48;
	v49 =	vmul.f32 v53, v49  }
0x1f6: {  	v6 =	vadd.f32 v6, v20;
	v0 =	vpop (erf);
	v50 =	vmul.f32 v53, v50;
	v55 =	vtrunc.f32 v55  }
0x1f7: {  	[tilespmem:$0x1FAF0] =	vst v37;
	v37 =	vsel vm4, v13, v63;
	v13 =	vld [tilespmem:$0x1FE90];
	v53 =	vpop (erf);
	v52 =	vmul.f32 v0, v52;
	v54 =	vmul.f32 v0, v54  }
0x1f8: {  	v24 =	vld [tilespmem:$0x1FEB0];
	v58 =	vadd.f32 v62, v18;
	v0 =	vpop (erf);
	v62 =	vmul.f32 v53, v42;
	v53 =	vmul.f32 v53, v56  }
0x1f9: {  	v7 =	vadd.f32 v7, v18;
	v42 =	vpop (erf);
	v56 =	vmul.f32 v0, v57;
	v2 =	vmul.f32 v0, v2  }
0x1fa: {  	s22 =	sadd.s32 $0xFFFFFF80, s20;
	v10 =	vadd.f32 v10, v20;
	v40 =	vpop (erf);
	v3 =	vmul.f32 v42, v3;
	v57 =	vmul.f32 v42, v59  }
0x1fb: {  	v14 =	vor.u32 s22, v16;
	v42 =	vpop (erf);
	v58 =	vmul.f32 v40, v58;
	v4 =	vmul.f32 v40, v4  }
0x1fc: {  	v63 =	vadd.f32 v31, v13;
	v2 =	vtrunc.f32 v2;
	v5 =	vmul.f32 v42, v5  }
0x1fd: {  	v41 =	vadd.f32 v41, v24;
	v40 =	vpop (erf);
	v59 =	vmul.f32 v42, v6;
	v3 =	vtrunc.f32 v3  }
0x1fe: {  	v42 =	vadd.f32 v63, v20;
	v2 =	vcvt.f32.s32 v2;
	v7 =	vmul.f32 v40, v7  }
0x1ff: {  	s23 =	sadd.s32 $0xFFFFFFB0, s20;
	v63 =	vadd.f32 v41, v18;
	v6 =	vpop (erf);
	v10 =	vmul.f32 v40, v10;
	v58 =	vtrunc.f32 v58  }
0x200: {  	s22 =	sadd.s32 $0xFFFFFFA0, s20;
	v24 =	vor.u32 s23, v16;
	v4 =	vtrunc.f32 v4;
	v3 =	vcvt.f32.s32 v3;
	v0 =	vpop (erf)  }
0x201: {  	v23 =	vor.u32 s22, v16;
	s22 =	sadd.s32 $0xFFFFFFC0, s20;
	v40 =	vmul.f32 v6, v42;
	v42 =	vmul.f32 v0, v63;
	v63 =	vld [tilespmem:$0x1FBB0]  }
0x202: {  	[tilespmem:s18+$0xFFFFFFC0] =	vst v26;
	v9 =	vor.u32 s22, v16;
	v41 =	vld [tilespmem:$0x1FEC0];
	v26 =	vcvt.f32.s32 v58;
	v4 =	vcvt.f32.s32 v4  }
0x203: {  	s23 =	sadd.s32 $0xFFFFFFD0, s20;
	[tilespmem:s18+$0x0] =	vst v36;
	v1 =	vadd.f32 v1, v18;
	v5 =	vtrunc.f32 v5;
	v36 =	vtrunc.f32 v59  }
0x204: {  	s22 =	sadd.s32 $0xFFFFFFE0, s20;
	v13 =	vor.u32 s23, v16;
	v7 =	vtrunc.f32 v7;
	v5 =	vcvt.f32.s32 v5  }
0x205: {  	[tilespmem:s18+$0x20] =	vst v12;
	v44 =	vor.u32 s22, v16;
	v12 =	vcvt.f32.s32 v36;
	v10 =	vtrunc.f32 v10  }
0x206: {  	s19 =	sadd.s32 $0x100, s19;
	[tilespmem:s18+$0xFFFFFFF0] =	vst v35;
	v35 =	vor.u32 v4, v26;
	v4 =	vshll.u32 v4, $0x9;
	v30 =	vsel vm2, v30, v63;
	v63 =	vld [tilespmem:$0x1FBC0]  }
0x207: {  	[tilespmem:s19+$0x70] =	vst v29;
	s23 =	sadd.s32 $0xFFFFFFF0, s20;
	v7 =	vcvt.f32.s32 v7;
	v10 =	vcvt.f32.s32 v10;
	v31 =	vadd.f32 v31, v41  }
0x208: {  	[tilespmem:s18+$0x10] =	vst v37;
	v41 =	vmul.f32 v6, v1;
	v1 =	vor.u32 s23, v16;
	v4 =	vadd.s32 v26, v4  }
0x209: {  	[tilespmem:s18+$0x30] =	vst v38;
	v38 =	vshll.u32 v12, $0x9;
	v6 =	vadd.f32 v31, v20;
	v31 =	vtrunc.f32 v51  }
0x20a: {  	[tilespmem:s18+$0x40] =	vst v39;
	v37 =	vor.u32 v12, v5;
	v39 =	vadd.s32 v5, v38;
	v31 =	vcvt.f32.s32 v31  }
0x20b: {  	v6 =	vmul.f32 v0, v6;
	v51 =	vsel vm15, v61, v63;
	v61 =	vtrunc.f32 v47  }
0x20c: {  	v63 =	vor.u32 v31, v11;
	v31 =	vshll.u32 v31, $0x9;
	v47 =	vcvt.f32.s32 v55  }
0x20d: {  	v55 =	vtrunc.f32 v46;
	vm15 =	vlt.u32 v35, $0x200;
	v0 =	vcvt.f32.s32 v61  }
0x20e: {  	vm0 =	vlt.u32 v63, $0x200;
	v63 =	vtrunc.f32 v45;
	[tilespmem:s18+$0x60] =	vst v51;
	v51 =	vtrunc.f32 v41  }
0x20f: {  	v11 =	vadd.s32 v11, v31;
	v31 =	vcvt.f32.s32 v63;
	v63 =	vtrunc.f32 v60  }
0x210: {  	v60 =	vtrunc.f32 v49;
	v49 =	vtrunc.f32 v52;
	v11 =	vsel vm0, v11, v19  }
0x211: {  	v52 =	vtrunc.f32 v40;
	v61 =	vor.u32 v43, v0;
	v45 =	vcvt.f32.s32 v63  }
0x212: {  	v43 =	vshll.u32 v43, $0x9;
	v63 =	vtrunc.f32 v50;
	v50 =	vtrunc.f32 v54  }
0x213: {  	v49 =	vcvt.f32.s32 v49;
	v54 =	vtrunc.f32 v57;
	vm1 =	vlt.u32 v61, $0x200  }
0x214: {  	v0 =	vadd.s32 v0, v43;
	v61 =	vor.u32 v47, v8;
	v43 =	vcvt.f32.s32 v55  }
0x215: {  	v55 =	vtrunc.f32 v48;
	v47 =	vshll.u32 v47, $0x9;
	v50 =	vcvt.f32.s32 v50  }
0x216: {  	[tilespmem:s18+$0xFFFFFFA0] =	vst v32;
	v32 =	vcvt.f32.s32 v54;
	v54 =	vcvt.f32.s32 v51;
	vm12 =	vlt.u32 v61, $0x200  }
0x217: {  	v8 =	vadd.s32 v8, v47;
	v46 =	vcvt.f32.s32 v55;
	v47 =	vcvt.f32.s32 v63  }
0x218: {  	v0 =	vsel vm1, v0, v17;
	v61 =	vor.u32 v43, v31;
	v43 =	vshll.u32 v43, $0x9  }
0x219: {  	[tilespmem:s18+$0xFFFFFFE0] =	vst v34;
	v34 =	vshll.u32 v32, $0x9;
	v8 =	vsel vm12, v8, v21;
	vm12 =	vlt.u32 v37, $0x200  }
0x21a: {  	[tilespmem:s18+$0xFFFFFF80] =	vst v27;
	vm2 =	vlt.u32 v61, $0x200;
	v31 =	vadd.s32 v31, v43;
	v43 =	vcvt.f32.s32 v60  }
0x21b: {  	[tilespmem:s18+$0xFFFFFF90] =	vst v28;
	v55 =	vor.u32 v46, v45;
	v60 =	vtrunc.f32 v62;
	v61 =	vtrunc.f32 v53  }
0x21c: {  	[tilespmem:s18+$0xFFFFFFB0] =	vst v25;
	v46 =	vshll.u32 v46, $0x9;
	v62 =	vtrunc.f32 v56;
	v53 =	vshll.u32 v47, $0x9  }
0x21d: {  	[tilespmem:s19+$0xFFFFFF90] =	vst v0;
	v0 =	vsel vm12, v39, v9;
	vm13 =	vlt.u32 v55, $0x200;
	v45 =	vadd.s32 v45, v46  }
0x21e: {  	v55 =	vor.u32 v50, v49;
	v56 =	vcvt.f32.s32 v60;
	v57 =	vcvt.f32.s32 v61  }
0x21f: {  	v46 =	vshll.u32 v50, $0x9;
	v29 =	vcvt.f32.s32 v62;
	v63 =	vor.u32 v47, v43  }
0x220: {  	[tilespmem:s18+$0xFFFFFFD0] =	vst v33;
	v28 =	vadd.s32 v43, v53;
	vm6 =	vlt.u32 v55, $0x200;
	v27 =	vadd.s32 v49, v46  }
0x221: {  	[tilespmem:s18+$0x50] =	vst v30;
	v48 =	vld [tilespmem:$0x1FAF0];
	v45 =	vsel vm13, v45, v15;
	v46 =	vor.u32 v10, v7;
	v10 =	vshll.u32 v10, $0x9  }
0x222: {  	[tilespmem:s19+$0xFFFFFF80] =	vst v11;
	v53 =	vtrunc.f32 v42;
	v55 =	vsel vm15, v4, v24;
	vm5 =	vlt.u32 v63, $0x200  }
0x223: {  	[tilespmem:s19+$0xFFFFFFA0] =	vst v8;
	v60 =	vor.u32 v57, v56;
	v61 =	vshll.u32 v57, $0x9;
	v62 =	vor.u32 v2, v29  }
0x224: {  	[tilespmem:s19+$0x30] =	vst v0;
	v49 =	vld [tilespmem:$0x1FB00];
	v2 =	vshll.u32 v2, $0x9;
	v63 =	vor.u32 v32, v3;
	v3 =	vadd.s32 v3, v34  }
0x225: {  	vm13 =	vlt.u32 v46, $0x200;
	v47 =	vadd.s32 v7, v10;
	[tilespmem:s19+$0xFFFFFFC0] =	vst v45;
	v57 =	vcvt.f32.s32 v53  }
0x226: {  	v43 =	vld [tilespmem:$0x1FAE0];
	[tilespmem:s19+$0x20] =	vst v55;
	vm7 =	vlt.u32 v60, $0x200;
	v25 =	vadd.s32 v56, v61;
	v7 =	vsel vm5, v28, v48  }
0x227: {  	vm8 =	vlt.u32 v62, $0x200;
	v56 =	vtrunc.f32 v6;
	v60 =	vsel vm13, v47, v13;
	[tilespmem:s19+$0xFFFFFFD0] =	vst v7  }
0x228: {  	v2 =	vadd.s32 v29, v2;
	v50 =	vsel vm7, v25, v14;
	v4 =	vcvt.f32.s32 v56;
	[tilespmem:s19+$0x40] =	vst v60  }
0x229: {  	vm14 =	vlt.u32 v63, $0x200;
	v2 =	vsel vm8, v2, v22;
	[tilespmem:s19+$0xFFFFFFF0] =	vst v50;
	v7 =	vsel vm6, v27, v49  }
0x22a: {  	v3 =	vsel vm14, v3, v23;
	v61 =	vor.u32 v4, v57;
	[tilespmem:s19+$0xFFFFFFE0] =	vst v7;
	v7 =	vcvt.f32.s32 v52  }
0x22b: {  	[tilespmem:s19+$0x0] =	vst v2;
	v5 =	vsel vm2, v31, v43;
	v4 =	vshll.u32 v4, $0x9;
	vm15 =	vlt.u32 v61, $0x200  }
0x22c: {  	[tilespmem:s19+$0x10] =	vst v3;
	v62 =	vadd.s32 v57, v4;
	v58 =	vor.u32 v7, v54;
	v7 =	vshll.u32 v7, $0x9  }
0x22d: {  	[tilespmem:s19+$0xFFFFFFB0] =	vst v5;
	v0 =	vsel vm15, v62, v1;
	vm14 =	vlt.u32 v58, $0x200;
	v59 =	vadd.s32 v54, v7  }
0x22e: {  	[tilespmem:s19+$0x60] =	vst v0;
	v63 =	vsel vm14, v59, v44  }
0x22f: {  	s21 =	simm.s32 $0x90;
	[tilespmem:s19+$0x50] =	vst v63  }
0x230: {  	[tilespmem:s10], [sflag:$0x1] =	stream.indirect.gather [hbm4b:s0+s8], $0x8, s21, s8, $0xb8;
	[tilespmem:$0x4890] =	vst v63  }
0x231: {  	s22 =	simm.s32 $0x110;
	s23 =	simm.s32 $0xC90  }
0x232: {  	[tilespmem:s23], [sflag:$0x1] =	stream.indirect.gather [hbm4b:s0+s8], $0x8, s22, s8, $0xb8;
	[tilespmem:$0x4890] =	vst v63  }
0x233: {  	s20 =	simm.s32 $0x190;
	s21 =	simm.s32 $0x1090  }
0x234: {  	[tilespmem:s21], [sflag:$0x1] =	stream.indirect.gather [hbm4b:s0+s8], $0x8, s20, s8, $0xb8;
	[tilespmem:$0x4890] =	vst v63  }
0x235: {  	s22 =	simm.s32 $0x210;
	s23 =	simm.s32 $0x1490  }
0x236: {  	[tilespmem:s23], [sflag:$0x1] =	stream.indirect.gather [hbm4b:s0+s8], $0x8, s22, s8, $0xb8;
	[tilespmem:$0x4890] =	vst v63  }
0x237: {  	s20 =	simm.s32 $0x290;
	s21 =	simm.s32 $0x1890  }
0x238: {  	[tilespmem:s21], [sflag:$0x1] =	stream.indirect.gather [hbm4b:s0+s8], $0x8, s20, s8, $0xb8;
	[tilespmem:$0x4890] =	vst v63  }
0x239: {  	s22 =	simm.s32 $0x310;
	s23 =	simm.s32 $0x1C90  }
0x23a: {  	[tilespmem:s23], [sflag:$0x1] =	stream.indirect.gather [hbm4b:s0+s8], $0x8, s22, s8, $0xb8;
	[tilespmem:$0x4890] =	vst v63  }
0x23b: {  	s19 =	simm.s32 $0x390;
	s20 =	simm.s32 $0x2090  }
0x23c: {  	[tilespmem:s20], [sflag:$0x1] =	stream.indirect.gather [hbm4b:s0+s8], $0x8, s19, s8, $0xb8;
	[tilespmem:$0x4890] =	vst v63  }
0x23d: {  	s21 =	simm.s32 $0x410  }
0x23e: {  	[tilespmem:s24], [sflag:$0x1] =	stream.indirect.gather [hbm4b:s0+s8], $0x8, s21, s8, $0xb8;
	[tilespmem:$0x4890] =	vst v63  }
0x23f: {  	_ = 	snop  }
0x240: {  	[tilespmem:s26], [sflag:$0x1] =	stream.indirect.gather [hbm4b:s0+s8], $0x8, s25, s8, $0xb8;
	[tilespmem:$0x4890] =	vst v63  }
0x241: {  	_ = 	snop  }
0x242: {  	[tilespmem:s29], [sflag:$0x1] =	stream.indirect.gather [hbm4b:s0+s8], $0x8, s28, s8, $0xb8;
	[tilespmem:$0x4890] =	vst v63  }
0x243: {  	_ = 	snop  }
0x244: {  	[tilespmem:s31], [sflag:$0x1] =	stream.indirect.gather [hbm4b:s0+s8], $0x8, s30, s8, $0xb8;
	[tilespmem:$0x4890] =	vst v63  }
0x245: {  	_ = 	snop  }
0x246: {  	[tilespmem:s1], [sflag:$0x1] =	stream.indirect.gather [hbm4b:s0+s8], $0x8, s2, s8, $0xb8;
	[tilespmem:$0x4890] =	vst v63  }
0x247: {  	_ = 	snop  }
0x248: {  	[tilespmem:s6], [sflag:$0x1] =	stream.indirect.gather [hbm4b:s0+s8], $0x8, s4, s8, $0xb8;
	[tilespmem:$0x4890] =	vst v63  }
0x249: {  	_ = 	snop  }
0x24a: {  	[tilespmem:s11], [sflag:$0x1] =	stream.indirect.gather [hbm4b:s0+s8], $0x8, s9, s8, $0xb8;
	[tilespmem:$0x4890] =	vst v63  }
0x24b: {  	_ = 	snop  }
0x24c: {  	[tilespmem:s13], [sflag:$0x1] =	stream.indirect.gather [hbm4b:s0+s8], $0x8, s12, s8, $0xb8;
	[tilespmem:$0x4890] =	vst v63  }
0x24d: {  	_ = 	snop  }
0x24e: {  	[tilespmem:s3], [sflag:$0x1] =	stream.indirect.gather [hbm4b:s0+s8], $0x8, s14, s8, $0xb8;
	[tilespmem:$0x4890] =	vst v63  }
0x24f: {  	_ =	swait.ge [sflag:s15], $0x400  }
0x250: {  	[sflag:s15] =	ssyncset.done $0x0  }
0x251: {  	[sflag:s15] =	ssyncadd.s32 $0xFFFFFC00  }
0x252: {  	_ =	swait.ge [sflag:s15], $0x400  }
0x253: {  	[sflag:s15] =	ssyncset.done $0x0  }
0x254: {  	[sflag:s15] =	ssyncadd.s32 $0xFFFFFC00  }
0x255: {  	_ =	swait.ge [sflag:s15], $0x400  }
0x256: {  	[sflag:s15] =	ssyncset.done $0x0  }
0x257: {  	[sflag:s15] =	ssyncadd.s32 $0xFFFFFC00  }
0x258: {  	_ =	swait.ge [sflag:s15], $0x400  }
0x259: {  	[sflag:s15] =	ssyncset.done $0x0  }
0x25a: {  	[sflag:s15] =	ssyncadd.s32 $0xFFFFFC00  }
0x25b: {  	_ =	swait.ge [sflag:s15], $0x400  }
0x25c: {  	[sflag:s15] =	ssyncset.done $0x0  }
0x25d: {  	[sflag:s15] =	ssyncadd.s32 $0xFFFFFC00  }
0x25e: {  	_ =	swait.ge [sflag:s15], $0x400  }
0x25f: {  	[sflag:s15] =	ssyncset.done $0x0  }
0x260: {  	[sflag:s15] =	ssyncadd.s32 $0xFFFFFC00  }
0x261: {  	_ =	swait.ge [sflag:s15], $0x400  }
0x262: {  	[sflag:s15] =	ssyncset.done $0x0  }
0x263: {  	[sflag:s15] =	ssyncadd.s32 $0xFFFFFC00  }
0x264: {  	_ =	swait.ge [sflag:s15], $0x400  }
0x265: {  	[sflag:s15] =	ssyncset.done $0x0  }
0x266: {  	[sflag:s15] =	ssyncadd.s32 $0xFFFFFC00  }
0x267: {  	_ =	swait.ge [sflag:s15], $0x400  }
0x268: {  	[sflag:s15] =	ssyncset.done $0x0  }
0x269: {  	[sflag:s15] =	ssyncadd.s32 $0xFFFFFC00  }
0x26a: {  	_ =	swait.ge [sflag:s15], $0x400  }
0x26b: {  	[sflag:s15] =	ssyncset.done $0x0  }
0x26c: {  	[sflag:s15] =	ssyncadd.s32 $0xFFFFFC00  }
0x26d: {  	_ =	swait.ge [sflag:s15], $0x400  }
0x26e: {  	[sflag:s15] =	ssyncset.done $0x0  }
0x26f: {  	[sflag:s15] =	ssyncadd.s32 $0xFFFFFC00  }
0x270: {  	_ =	swait.ge [sflag:s15], $0x400  }
0x271: {  	[sflag:s15] =	ssyncset.done $0x0  }
0x272: {  	[sflag:s15] =	ssyncadd.s32 $0xFFFFFC00  }
0x273: {  	_ =	swait.ge [sflag:s15], $0x400  }
0x274: {  	[sflag:s15] =	ssyncset.done $0x0  }
0x275: {  	[sflag:s15] =	ssyncadd.s32 $0xFFFFFC00  }
0x276: {  	_ =	swait.ge [sflag:s15], $0x400  }
0x277: {  	[sflag:s15] =	ssyncset.done $0x0  }
0x278: {  	[sflag:s15] =	ssyncadd.s32 $0xFFFFFC00  }
0x279: {  	_ =	swait.ge [sflag:s15], $0x400  }
0x27a: {  	[sflag:s15] =	ssyncset.done $0x0  }
0x27b: {  	[sflag:s15] =	ssyncadd.s32 $0xFFFFFC00  }
0x27c: {  	s22 =	sshll.u32 s17, $0xB;
	s17 =	sadd.s32 $0x1, s17;
	_ =	swait.ge [sflag:s15], $0x400  }
0x27d: {  	s23 =	simm.s32 $0x0;
	p0 =	sne.s32 s17, $0x20;
	[sflag:s15] =	ssyncset.done $0x0  }
.Ltmp1:
0x27e: {  	s18 =	sadd.s32 s22, s5;
	[sflag:s15] =	ssyncadd.s32 $0xFFFFFC00;
	(pc) =	sbr.rel @p0 .LBB2_2-.Ltmp1, $4  }
0x27f: {  	[hbm4b:s18+s23] =	stream.linear.scatter [tilespmem:s10], [sflag:$0x2], $0x4000, $0x38;
	[tilespmem:$0x4890] =	vst v63  }
0x280: {  	_ =	swait.ge [sflag:s7], $0x4000  }
0x281: {  	[sflag:s7] =	ssyncset.done $0x0  }
0x282: {  	s16 =	sadd.s32 $0x8, s16;
	[sflag:s7] =	ssyncadd.s32 $0xFFFFC000  }
0x283: {  	s17 =	rddreg [dreg:$0x5]  }
0x284: {  	s16 =	rddreg [dreg:$0x4];
	s17 =	sadd.s32 $0x1, s17  }
0x285: {  	p0 =	sne.s32 s17, s16  }
.Ltmp2:
0x286: {  	_ = 	snop;
	(pc) =	sbr.rel @p0 .LBB2_1-.Ltmp2, $1  }
0x287: {  	_ =	sdelay $0x3  }
0x288: {  	_ =	sfence.sel $0x180000  }
0x289: {  	[bflag:$0x0] =	sbarrier.arrive $0xFFFF  }
0x28a: {  	_ =	strace $0x90000047  }
0x28b: {  	s0 =	stileid.u32;
	[bflag:$0x2] =	sbarrier.arrive $0xFFFF  }
0x28c: {  	p0 =	sne.s32 s0, $0x0;
	s0 =	rddreg [dreg:$0x2]  }
0x28d: {  	s0 =	sadd.s32 @!p0 $0x100000, s0  }
0x28e: {  	[sflag:s0] =	ssyncadd.tile.s32 @!p0 $0x1;
	_ =	shalt  }
.Lfunc_end2:
_tile_overlayer_lowered:
.L_overlay_start_2:
0x28f: {  	(tag) =	ssettag $0x2  }
0x290: {  	s0 =	rddreg [dreg:$0x0];
	s2 =	stileid.u32  }
0x291: {  	s1 =	rddreg [dreg:$0x1];
	p0 =	sne.s32 s2, $0x0  }
0x292: {  	s3 =	rddreg [dreg:$0x2];
	[bflag:$0x3] =	sbarrier.arrive $0xFFFF;
	s2 =	simm.s32 @!p0 $0x1C02  }
0x293: {  	[timem:s3], [sflag:s2] =	dma.local @!p0 [hbm:s0], s1  }
0x294: {  	s0 =	simm.s32 @!p0 $0x2  }
0x295: {  	_ =	swait.ge @!p0 [sflag:s0], s1  }
0x296: {  	s1 =	ssub.s32 @!p0 $0x0, s1;
	[sflag:s0] =	ssyncset.done @!p0 $0x0  }
0x297: {  	[sflag:s0] =	ssyncadd.s32 @!p0 s1  }
0x298: {  	[bflag:$0x3] =	sbarrier.arrive $0xFFFF  }
0x299: {  	_ =	shalt  }

</sc_bundles>
